<compile_context>
chip_gen: v7x
topology: tpu7x:2x2x1
jax: 0.10.2.dev20260603
libtpu: 0.0.44.dev20260713+nightly
codegen_flags: <defaults>
</compile_context>

<pallas_src>
import functools

import jax
import jax.numpy as jnp
from jax import lax
from jax.experimental import pallas as pl
from jax.experimental.pallas import tpu as pltpu
from jax.experimental.pallas import tpu_sc as plsc

NUM_CORES = 2
NUM_SUBCORES = 16
LANES = 16


def kernel(input, word_table, pos_table):
    B, S = input.shape
    V, E = word_table.shape
    NW = NUM_CORES * NUM_SUBCORES
    total = B * S
    CH = 128
    n_units = total // CH
    units_w = n_units // NW
    TB = B // CH
    ET = E // 8
    idx2d = input.T.reshape(n_units, CH)
    pos_s = pos_table[:S]

    mesh = plsc.VectorSubcoreMesh(core_axis_name="c", subcore_axis_name="s")

    @functools.partial(
        pl.kernel,
        out_type=jax.ShapeDtypeStruct((S, ET, TB, 8, CH), jnp.float32),
        mesh=mesh,
        scratch_types=[
            pltpu.VMEM((units_w, CH), jnp.int32),
            pltpu.VMEM((S, E), jnp.float32),
            pltpu.VMEM((CH, E), jnp.float32),
            pltpu.VMEM((CH, E), jnp.float32),
            pltpu.VMEM((ET, 8, CH), jnp.float32),
            pltpu.VMEM((ET, 8, CH), jnp.float32),
            pltpu.SemaphoreType.DMA,
            pltpu.SemaphoreType.DMA,
            pltpu.SemaphoreType.DMA,
        ],
        compiler_params=pltpu.CompilerParams(use_tc_tiling_on_sc=False,
                                             needs_layout_passes=False),
    )
    def sc_kernel(idx_hbm, word_hbm, pos_hbm, out_hbm,
                  idx_v, pos_v, buf0_v, buf1_v, t0_v, t1_v,
                  gsem0, gsem1, ssem):
        wid = lax.axis_index("s") * NUM_CORES + lax.axis_index("c")
        ubase = wid * units_w
        bufs = (buf0_v, buf1_v)
        tbufs = (t0_v, t1_v)
        gsems = (gsem0, gsem1)
        pltpu.sync_copy(idx_hbm.at[pl.ds(ubase, units_w)], idx_v)
        pltpu.sync_copy(pos_hbm, pos_v)

        lane = lax.iota(jnp.int32, LANES)
        col_c = [lane + LANES * c for c in range(E // LANES)]
        te_c = [(lane + LANES * c) >> 3 for c in range(E // LANES)]
        e8_c = [(lane + LANES * c) & 7 for c in range(E // LANES)]

        def fire_gather(g, slot):
            pltpu.async_copy(word_hbm.at[idx_v.at[g]], bufs[slot], gsems[slot])

        def wait_gather(g, slot):
            pltpu.make_async_copy(word_hbm.at[idx_v.at[g]], bufs[slot],
                                  gsems[slot]).wait()

        def wait_store(slot):
            pltpu.make_async_copy(tbufs[slot], out_hbm.at[0, :, 0], ssem).wait()

        fire_gather(0, 0)

        def unit_pair(gp, _):
            for b in range(2):
                g = gp * 2 + b
                u = ubase + g
                srow = u // TB
                tb = u % TB

                @pl.when(g < units_w - 1)
                def _():
                    fire_gather(g + 1, 1 - b)

                @pl.when(gp >= 1)
                def _():
                    wait_store(b)

                wait_gather(g, b)

                buf, tbuf = bufs[b], tbufs[b]
                pos_c = [pos_v[srow, pl.ds(LANES * c, LANES)]
                         for c in range(E // LANES)]

                @plsc.parallel_loop(0, CH, unroll=4)
                def _(r):
                    rowv = (lane + r) & (CH - 1)
                    for c in range(E // LANES):
                        val = plsc.load_gather(buf, [rowv, col_c[c]]) + pos_c[c]
                        plsc.store_scatter(tbuf, [te_c[c], e8_c[c], rowv], val)

                pltpu.async_copy(tbuf, out_hbm.at[srow, :, tb], ssem)
            return 0

        lax.fori_loop(0, units_w // 2, unit_pair, 0)
        wait_store(0)
        wait_store(1)

    x5 = sc_kernel(idx2d, word_table, pos_s)
    return x5.transpose(2, 4, 0, 1, 3).reshape(B, S, E)

# --- scband reference (transcript-rebuilt; emitter-appended) ---
"""Pipeline reference for scband-input-embedding-27393301414080 (READ-ONLY COPY).

The authoritative reference and input builder live on the scoring server;
editing this copy changes nothing except your own understanding.
"""

import jax, jax.numpy as jnp
import numpy as np

VOCAB = 100000
EMBED = 64
BATCH = 1024
SEQ = 200

def setup_inputs(seed: int = 0) -> dict:
    key = jax.random.key(seed)
    k_idx, k_w, k_p = jax.random.split(key, 3)
    inp = jax.random.randint(k_idx, (BATCH, SEQ), 0, VOCAB, dtype=jnp.int64 if jax.config.jax_enable_x64 else jnp.int32)
    word_table = jax.random.normal(k_w, (VOCAB, EMBED), dtype=jnp.float32)
    pos_table = jax.random.normal(k_p, (VOCAB, EMBED), dtype=jnp.float32)
    return {"input": inp, "word_table": word_table, "pos_table": pos_table}

def reference(input, word_table, pos_table):
    # word embedding lookup (gather)
    word_embd = jnp.take(word_table, input, axis=0)            # [B, S, E]
    batch_size, seq_len = input.shape
    position_vec = jnp.broadcast_to(jnp.arange(seq_len), (batch_size, seq_len))
    positional_enc = jnp.take(pos_table, position_vec, axis=0)  # [B, S, E]
    # dropout in eval mode == identity
    return word_embd + positional_enc

if __name__ == "__main__":
    import jax
    _d = setup_inputs()
    print(jax.jit(kernel)(*tuple(_d.values())))

</pallas_src>

<mosaic_0001>
#map = affine_map<(d0, d1) -> (0, 0)>
#map1 = affine_map<(d0, d1) -> (0, 0, 0, 0, 0)>
module attributes {stable_mosaic.version = 14 : i64} {
  func.func @sc_kernel(%arg0: i32, %arg1: i32, %arg2: memref<1600x128xi32, #tpu.memory_space<hbm>>, %arg3: memref<100000x64xf32, #tpu.memory_space<hbm>>, %arg4: memref<200x64xf32, #tpu.memory_space<hbm>>, %arg5: memref<200x8x8x8x128xf32, #tpu.memory_space<hbm>>, %arg6: memref<50x128xi32, #tpu.memory_space<vmem>>, %arg7: memref<200x64xf32, #tpu.memory_space<vmem>>, %arg8: memref<128x64xf32, #tpu.memory_space<vmem>>, %arg9: memref<128x64xf32, #tpu.memory_space<vmem>>, %arg10: memref<8x8x128xf32, #tpu.memory_space<vmem>>, %arg11: memref<8x8x128xf32, #tpu.memory_space<vmem>>, %arg12: memref<!tpu.dma_semaphore, #tpu.memory_space<semaphore_mem>>, %arg13: memref<!tpu.dma_semaphore, #tpu.memory_space<semaphore_mem>>, %arg14: memref<!tpu.dma_semaphore, #tpu.memory_space<semaphore_mem>>) attributes {dimension_semantics = [#tpu.dimension_semantics<core_parallel>, #tpu.dimension_semantics<subcore_parallel>], iteration_bounds = array<i64: 2, 16>, scalar_prefetch = 0 : i64, scratch_operands = 9 : i64, tpu.core_type = #tpu.core_type<sc_vector_subcore>, window_params = [{transform_indices = #map}, {transform_indices = #map}, {transform_indices = #map}, {transform_indices = #map1}]} {
    %mul3A = arith.constant 2 : i32
    %mul3A_0 = arith.muli %arg1, %mul3A : i32
    %add3A = arith.addi %mul3A_0, %arg0 : i32
    %mul3A_1 = arith.constant 50 : i32
    %mul3A_2 = arith.muli %add3A, %mul3A_1 : i32
    "tpu.region"() ({
      %run_scoped3A = tpu.sem_alloc : memref<!tpu.dma_semaphore, #tpu.memory_space<semaphore_mem>>
      %dma_start3A_96 = arith.constant 0 : i32
      %dma_start3A_97 = tpu.memref_slice %arg2[%mul3A_2, %dma_start3A_96] : memref<1600x128xi32, #tpu.memory_space<hbm>> -> memref<50x128xi32, #tpu.memory_space<hbm>>
      %dma_start3A_98 = arith.constant 0 : i32
      %dma_start3A_99 = tpu.memref_slice %arg2[%mul3A_2, %dma_start3A_98] : memref<1600x128xi32, #tpu.memory_space<hbm>> -> memref<50x128xi32, #tpu.memory_space<hbm>>
      tpu.enqueue_dma source(%dma_start3A_99 : memref<50x128xi32, #tpu.memory_space<hbm>>) target(%arg6 : memref<50x128xi32, #tpu.memory_space<vmem>>) target_semaphore(%run_scoped3A : memref<!tpu.dma_semaphore, #tpu.memory_space<semaphore_mem>>)
      %dma_wait3A_100 = arith.constant 0 : i32
      %dma_wait3A_101 = tpu.memref_slice %arg2[%mul3A_2, %dma_wait3A_100] : memref<1600x128xi32, #tpu.memory_space<hbm>> -> memref<50x128xi32, #tpu.memory_space<hbm>>
      %dma_wait3A_102 = arith.constant 0 : i32
      %dma_wait3A_103 = tpu.memref_slice %arg2[%mul3A_2, %dma_wait3A_102] : memref<1600x128xi32, #tpu.memory_space<hbm>> -> memref<50x128xi32, #tpu.memory_space<hbm>>
      tpu.wait_dma2 semaphore(%run_scoped3A : memref<!tpu.dma_semaphore, #tpu.memory_space<semaphore_mem>>) src(%dma_wait3A_103 : memref<50x128xi32, #tpu.memory_space<hbm>>) dst(%arg6 : memref<50x128xi32, #tpu.memory_space<vmem>>)
      tpu.yield
    }) : () -> ()
    "tpu.region"() ({
      %run_scoped3A = tpu.sem_alloc : memref<!tpu.dma_semaphore, #tpu.memory_space<semaphore_mem>>
      tpu.enqueue_dma source(%arg4 : memref<200x64xf32, #tpu.memory_space<hbm>>) target(%arg7 : memref<200x64xf32, #tpu.memory_space<vmem>>) target_semaphore(%run_scoped3A : memref<!tpu.dma_semaphore, #tpu.memory_space<semaphore_mem>>)
      tpu.wait_dma2 semaphore(%run_scoped3A : memref<!tpu.dma_semaphore, #tpu.memory_space<semaphore_mem>>) src(%arg4 : memref<200x64xf32, #tpu.memory_space<hbm>>) dst(%arg7 : memref<200x64xf32, #tpu.memory_space<vmem>>)
      tpu.yield
    }) : () -> ()
    %iota3A = tpu.iota {dimensions = array<i32: 0>} : vector<16xi32>
    %add3A_3 = arith.constant 0 : i32
    %add3A_4 = vector.broadcast %add3A_3 : i32 to vector<16xi32>
    %add3A_5 = arith.addi %iota3A, %add3A_4 : vector<16xi32>
    %add3A_6 = arith.constant 16 : i32
    %add3A_7 = vector.broadcast %add3A_6 : i32 to vector<16xi32>
    %add3A_8 = arith.addi %iota3A, %add3A_7 : vector<16xi32>
    %add3A_9 = arith.constant 32 : i32
    %add3A_10 = vector.broadcast %add3A_9 : i32 to vector<16xi32>
    %add3A_11 = arith.addi %iota3A, %add3A_10 : vector<16xi32>
    %add3A_12 = arith.constant 48 : i32
    %add3A_13 = vector.broadcast %add3A_12 : i32 to vector<16xi32>
    %add3A_14 = arith.addi %iota3A, %add3A_13 : vector<16xi32>
    %add3A_15 = arith.constant 0 : i32
    %add3A_16 = vector.broadcast %add3A_15 : i32 to vector<16xi32>
    %add3A_17 = arith.addi %iota3A, %add3A_16 : vector<16xi32>
    %shift_right_arithmetic3A = arith.constant 3 : i32
    %shift_right_arithmetic3A_18 = vector.broadcast %shift_right_arithmetic3A : i32 to vector<16xi32>
    %shift_right_arithmetic3A_19 = arith.shrsi %add3A_17, %shift_right_arithmetic3A_18 : vector<16xi32>
    %add3A_20 = arith.constant 16 : i32
    %add3A_21 = vector.broadcast %add3A_20 : i32 to vector<16xi32>
    %add3A_22 = arith.addi %iota3A, %add3A_21 : vector<16xi32>
    %shift_right_arithmetic3A_23 = arith.constant 3 : i32
    %shift_right_arithmetic3A_24 = vector.broadcast %shift_right_arithmetic3A_23 : i32 to vector<16xi32>
    %shift_right_arithmetic3A_25 = arith.shrsi %add3A_22, %shift_right_arithmetic3A_24 : vector<16xi32>
    %add3A_26 = arith.constant 32 : i32
    %add3A_27 = vector.broadcast %add3A_26 : i32 to vector<16xi32>
    %add3A_28 = arith.addi %iota3A, %add3A_27 : vector<16xi32>
    %shift_right_arithmetic3A_29 = arith.constant 3 : i32
    %shift_right_arithmetic3A_30 = vector.broadcast %shift_right_arithmetic3A_29 : i32 to vector<16xi32>
    %shift_right_arithmetic3A_31 = arith.shrsi %add3A_28, %shift_right_arithmetic3A_30 : vector<16xi32>
    %add3A_32 = arith.constant 48 : i32
    %add3A_33 = vector.broadcast %add3A_32 : i32 to vector<16xi32>
    %add3A_34 = arith.addi %iota3A, %add3A_33 : vector<16xi32>
    %shift_right_arithmetic3A_35 = arith.constant 3 : i32
    %shift_right_arithmetic3A_36 = vector.broadcast %shift_right_arithmetic3A_35 : i32 to vector<16xi32>
    %shift_right_arithmetic3A_37 = arith.shrsi %add3A_34, %shift_right_arithmetic3A_36 : vector<16xi32>
    %add3A_38 = arith.constant 0 : i32
    %add3A_39 = vector.broadcast %add3A_38 : i32 to vector<16xi32>
    %add3A_40 = arith.addi %iota3A, %add3A_39 : vector<16xi32>
    %and3A = arith.constant 7 : i32
    %and3A_41 = vector.broadcast %and3A : i32 to vector<16xi32>
    %and3A_42 = arith.andi %add3A_40, %and3A_41 : vector<16xi32>
    %add3A_43 = arith.constant 16 : i32
    %add3A_44 = vector.broadcast %add3A_43 : i32 to vector<16xi32>
    %add3A_45 = arith.addi %iota3A, %add3A_44 : vector<16xi32>
    %and3A_46 = arith.constant 7 : i32
    %and3A_47 = vector.broadcast %and3A_46 : i32 to vector<16xi32>
    %and3A_48 = arith.andi %add3A_45, %and3A_47 : vector<16xi32>
    %add3A_49 = arith.constant 32 : i32
    %add3A_50 = vector.broadcast %add3A_49 : i32 to vector<16xi32>
    %add3A_51 = arith.addi %iota3A, %add3A_50 : vector<16xi32>
    %and3A_52 = arith.constant 7 : i32
    %and3A_53 = vector.broadcast %and3A_52 : i32 to vector<16xi32>
    %and3A_54 = arith.andi %add3A_51, %and3A_53 : vector<16xi32>
    %add3A_55 = arith.constant 48 : i32
    %add3A_56 = vector.broadcast %add3A_55 : i32 to vector<16xi32>
    %add3A_57 = arith.addi %iota3A, %add3A_56 : vector<16xi32>
    %and3A_58 = arith.constant 7 : i32
    %and3A_59 = vector.broadcast %and3A_58 : i32 to vector<16xi32>
    %and3A_60 = arith.andi %add3A_57, %and3A_59 : vector<16xi32>
    %dma_start3A = arith.constant 0 : i32
    %dma_start3A_61 = arith.constant 0 : i32
    %dma_start3A_62 = tpu.memref_slice %arg6[%dma_start3A, %dma_start3A_61] : memref<50x128xi32, #tpu.memory_space<vmem>> -> memref<1x128xi32, #tpu.memory_space<vmem>>
    %dma_start3A_63 = tpu.memref_squeeze %dma_start3A_62 : memref<1x128xi32, #tpu.memory_space<vmem>> -> memref<128xi32, #tpu.memory_space<vmem>>
    %dma_start3A_64 = arith.constant 0 : i32
    %dma_start3A_65 = arith.constant 0 : i32
    %dma_start3A_66 = tpu.memref_slice %arg3[%dma_start3A_64, %dma_start3A_65] : memref<100000x64xf32, #tpu.memory_space<hbm>> -> memref<100000x64xf32, #tpu.memory_space<hbm>>
    tpu.enqueue_indirect_dma source(%dma_start3A_66 : memref<100000x64xf32, #tpu.memory_space<hbm>>) target(%arg8 : memref<128x64xf32, #tpu.memory_space<vmem>>) offsets(%dma_start3A_63 : memref<128xi32, #tpu.memory_space<vmem>>) semaphore(%arg12 : memref<!tpu.dma_semaphore, #tpu.memory_space<semaphore_mem>>)
    %scan3A = arith.constant 0 : i32
    %scan3A_67 = arith.constant 0 : i32
    %scan3A_68 = arith.constant 25 : i32
    %scan3A_69 = arith.addi %scan3A_67, %scan3A_68 : i32
    %scan3A_70 = arith.constant 1 : i32
    %scan3A_71 = scf.for %scan3A_96 = %scan3A_67 to %scan3A_69 step %scan3A_70 iter_args(%scan3A_97 = %scan3A) -> (i32)  : i32 {
      %mul3A_98 = arith.constant 2 : i32
      %mul3A_99 = arith.muli %scan3A_96, %mul3A_98 : i32
      %add3A_100 = arith.constant 0 : i32
      %add3A_101 = arith.addi %mul3A_99, %add3A_100 : i32
      %add3A_102 = arith.addi %mul3A_2, %add3A_101 : i32
      %jit3A = arith.constant 8 : i32
      %div3A = arith.divsi %add3A_102, %jit3A : i32
      %sign3A = arith.constant 0 : i32
      %sign3A_103 = arith.cmpi sgt, %add3A_102, %sign3A : i32
      %sign3A_104 = arith.extui %sign3A_103 : i1 to i32
      %sign3A_105 = arith.constant 0 : i32
      %sign3A_106 = arith.cmpi slt, %add3A_102, %sign3A_105 : i32
      %sign3A_107 = arith.extui %sign3A_106 : i1 to i32
      %sign3A_108 = arith.subi %sign3A_104, %sign3A_107 : i32
      %sign3A_109 = arith.constant 0 : i32
      %sign3A_110 = arith.cmpi sgt, %jit3A, %sign3A_109 : i32
      %sign3A_111 = arith.extui %sign3A_110 : i1 to i32
      %sign3A_112 = arith.constant 0 : i32
      %sign3A_113 = arith.cmpi slt, %jit3A, %sign3A_112 : i32
      %sign3A_114 = arith.extui %sign3A_113 : i1 to i32
      %sign3A_115 = arith.subi %sign3A_111, %sign3A_114 : i32
      %ne3A = arith.cmpi ne, %sign3A_108, %sign3A_115 : i32
      %rem3A = arith.remsi %add3A_102, %jit3A : i32
      %ne3A_116 = arith.constant 0 : i32
      %ne3A_117 = arith.cmpi ne, %rem3A, %ne3A_116 : i32
      %and3A_118 = arith.andi %ne3A, %ne3A_117 : i1
      %sub3A = arith.constant 1 : i32
      %sub3A_119 = arith.subi %div3A, %sub3A : i32
      %select_n3A = arith.select %and3A_118, %sub3A_119, %div3A : i32
      %jit3A_120 = arith.constant 8 : i32
      %eq3A = arith.constant 0 : i32
      %eq3A_121 = arith.cmpi eq, %jit3A_120, %eq3A : i32
      %jit3A_122 = arith.constant 1 : i32
      %select_n3A_123 = arith.select %eq3A_121, %jit3A_122, %jit3A_120 : i32
      %rem3A_124 = arith.remsi %add3A_102, %select_n3A_123 : i32
      %ne3A_125 = arith.constant 0 : i32
      %ne3A_126 = arith.cmpi ne, %rem3A_124, %ne3A_125 : i32
      %lt3A = arith.constant 0 : i32
      %lt3A_127 = arith.cmpi slt, %rem3A_124, %lt3A : i32
      %lt3A_128 = arith.constant 0 : i32
      %lt3A_129 = arith.cmpi slt, %select_n3A_123, %lt3A_128 : i32
      %ne3A_130 = arith.xori %lt3A_127, %lt3A_129 : i1
      %and3A_131 = arith.andi %ne3A_130, %ne3A_126 : i1
      %add3A_132 = arith.addi %rem3A_124, %select_n3A_123 : i32
      %select_n3A_133 = arith.select %and3A_131, %add3A_132, %rem3A_124 : i32
      %lt3A_134 = arith.constant 49 : i32
      %lt3A_135 = arith.cmpi slt, %add3A_101, %lt3A_134 : i32
      %convert_element_type3A = arith.extui %lt3A_135 : i1 to i32
      %cond3A = arith.constant 0 : i32
      %cond3A_136 = arith.cmpi ne, %convert_element_type3A, %cond3A : i32
      scf.if %cond3A_136 {
        %add3A_257 = arith.constant 1 : i32
        %add3A_258 = arith.addi %add3A_101, %add3A_257 : i32
        %dma_start3A_259 = arith.constant 0 : i32
        %dma_start3A_260 = tpu.memref_slice %arg6[%add3A_258, %dma_start3A_259] : memref<50x128xi32, #tpu.memory_space<vmem>> -> memref<1x128xi32, #tpu.memory_space<vmem>>
        %dma_start3A_261 = tpu.memref_squeeze %dma_start3A_260 : memref<1x128xi32, #tpu.memory_space<vmem>> -> memref<128xi32, #tpu.memory_space<vmem>>
        %dma_start3A_262 = arith.constant 0 : i32
        %dma_start3A_263 = arith.constant 0 : i32
        %dma_start3A_264 = tpu.memref_slice %arg3[%dma_start3A_262, %dma_start3A_263] : memref<100000x64xf32, #tpu.memory_space<hbm>> -> memref<100000x64xf32, #tpu.memory_space<hbm>>
        tpu.enqueue_indirect_dma source(%dma_start3A_264 : memref<100000x64xf32, #tpu.memory_space<hbm>>) target(%arg9 : memref<128x64xf32, #tpu.memory_space<vmem>>) offsets(%dma_start3A_261 : memref<128xi32, #tpu.memory_space<vmem>>) semaphore(%arg13 : memref<!tpu.dma_semaphore, #tpu.memory_space<semaphore_mem>>)
      } else {
      }
      %ge3A = arith.constant 1 : i32
      %ge3A_137 = arith.cmpi sge, %scan3A_96, %ge3A : i32
      %convert_element_type3A_138 = arith.extui %ge3A_137 : i1 to i32
      %cond3A_139 = arith.constant 0 : i32
      %cond3A_140 = arith.cmpi ne, %convert_element_type3A_138, %cond3A_139 : i32
      scf.if %cond3A_140 {
        %dma_wait3A_257 = arith.constant 0 : i32
        %dma_wait3A_258 = arith.constant 0 : i32
        %dma_wait3A_259 = arith.constant 0 : i32
        %dma_wait3A_260 = arith.constant 0 : i32
        %dma_wait3A_261 = arith.constant 0 : i32
        %dma_wait3A_262 = tpu.memref_slice %arg5[%dma_wait3A_257, %dma_wait3A_259, %dma_wait3A_258, %dma_wait3A_260, %dma_wait3A_261] : memref<200x8x8x8x128xf32, #tpu.memory_space<hbm>> -> memref<1x8x1x8x128xf32, #tpu.memory_space<hbm>>
        %dma_wait3A_263 = tpu.memref_squeeze %dma_wait3A_262 : memref<1x8x1x8x128xf32, #tpu.memory_space<hbm>> -> memref<8x8x128xf32, #tpu.memory_space<hbm>>
        %dma_wait3A_264 = arith.constant 0 : i32
        %dma_wait3A_265 = arith.constant 0 : i32
        %dma_wait3A_266 = arith.constant 0 : i32
        %dma_wait3A_267 = tpu.memref_slice %arg5[%dma_wait3A_257, %dma_wait3A_264, %dma_wait3A_258, %dma_wait3A_265, %dma_wait3A_266] : memref<200x8x8x8x128xf32, #tpu.memory_space<hbm>> -> memref<1x8x1x8x128xf32, #tpu.memory_space<hbm>>
        %dma_wait3A_268 = tpu.memref_squeeze %dma_wait3A_267 : memref<1x8x1x8x128xf32, #tpu.memory_space<hbm>> -> memref<8x8x128xf32, #tpu.memory_space<hbm>>
        tpu.wait_dma2 semaphore(%arg14 : memref<!tpu.dma_semaphore, #tpu.memory_space<semaphore_mem>>) src(%arg10 : memref<8x8x128xf32, #tpu.memory_space<vmem>>) dst(%dma_wait3A_268 : memref<8x8x128xf32, #tpu.memory_space<hbm>>)
      } else {
      }
      %dma_wait3A_141 = arith.constant 0 : i32
      %dma_wait3A_142 = tpu.memref_slice %arg6[%add3A_101, %dma_wait3A_141] : memref<50x128xi32, #tpu.memory_space<vmem>> -> memref<1x128xi32, #tpu.memory_space<vmem>>
      %dma_wait3A_143 = tpu.memref_squeeze %dma_wait3A_142 : memref<1x128xi32, #tpu.memory_space<vmem>> -> memref<128xi32, #tpu.memory_space<vmem>>
      %dma_wait3A_144 = arith.constant 0 : i32
      %dma_wait3A_145 = arith.constant 0 : i32
      %dma_wait3A_146 = tpu.memref_slice %arg3[%dma_wait3A_144, %dma_wait3A_145] : memref<100000x64xf32, #tpu.memory_space<hbm>> -> memref<100000x64xf32, #tpu.memory_space<hbm>>
      tpu.wait_indirect_dma semaphore(%arg12 : memref<!tpu.dma_semaphore, #tpu.memory_space<semaphore_mem>>) src(%dma_wait3A_146 : memref<100000x64xf32, #tpu.memory_space<hbm>>) dst(%arg8 : memref<128x64xf32, #tpu.memory_space<vmem>>)
      %get3A = arith.index_cast %select_n3A : i32 to index
      %get3A_147 = arith.constant 0 : index
      %get3A_148 = tpu.vector_load %arg7[%get3A, %get3A_147] {strides = array<i32>} : memref<200x64xf32, #tpu.memory_space<vmem>>, vector<16xf32>,
      %get3A_149 = arith.index_cast %select_n3A : i32 to index
      %get3A_150 = arith.constant 16 : index
      %get3A_151 = tpu.vector_load %arg7[%get3A_149, %get3A_150] {strides = array<i32>} : memref<200x64xf32, #tpu.memory_space<vmem>>, vector<16xf32>,
      %get3A_152 = arith.index_cast %select_n3A : i32 to index
      %get3A_153 = arith.constant 32 : index
      %get3A_154 = tpu.vector_load %arg7[%get3A_152, %get3A_153] {strides = array<i32>} : memref<200x64xf32, #tpu.memory_space<vmem>>, vector<16xf32>,
      %get3A_155 = arith.index_cast %select_n3A : i32 to index
      %get3A_156 = arith.constant 48 : index
      %get3A_157 = tpu.vector_load %arg7[%get3A_155, %get3A_156] {strides = array<i32>} : memref<200x64xf32, #tpu.memory_space<vmem>>, vector<16xf32>,
      %parallel_loop3A = arith.constant 0 : i32
      %parallel_loop3A_158 = arith.constant 128 : i32
      %parallel_loop3A_159 = arith.constant 1 : i32
      scf.for %parallel_loop3A_257 = %parallel_loop3A to %parallel_loop3A_158 step %parallel_loop3A_159  : i32 {
        %parallel_loop3A_258 = vector.broadcast %parallel_loop3A_257 : i32 to vector<16xi32>
        %parallel_loop3A_259 = arith.addi %iota3A, %parallel_loop3A_258 : vector<16xi32>
        %parallel_loop3A_260 = arith.constant 127 : i32
        %parallel_loop3A_261 = vector.broadcast %parallel_loop3A_260 : i32 to vector<16xi32>
        %parallel_loop3A_262 = arith.andi %parallel_loop3A_259, %parallel_loop3A_261 : vector<16xi32>
        %parallel_loop3A_263 = tpu.vector_load_idx %arg8[%parallel_loop3A_262, %add3A_5] : memref<128x64xf32, #tpu.memory_space<vmem>>[vector<16xi32>, vector<16xi32>], vector<16xf32>,
        %parallel_loop3A_264 = arith.addf %parallel_loop3A_263, %get3A_148 : vector<16xf32>
        tpu.vector_store_idx %arg10[%shift_right_arithmetic3A_19, %and3A_42, %parallel_loop3A_262], %parallel_loop3A_264 : memref<8x8x128xf32, #tpu.memory_space<vmem>>[vector<16xi32>, vector<16xi32>, vector<16xi32>], vector<16xf32>,
        %parallel_loop3A_265 = tpu.vector_load_idx %arg8[%parallel_loop3A_262, %add3A_8] : memref<128x64xf32, #tpu.memory_space<vmem>>[vector<16xi32>, vector<16xi32>], vector<16xf32>,
        %parallel_loop3A_266 = arith.addf %parallel_loop3A_265, %get3A_151 : vector<16xf32>
        tpu.vector_store_idx %arg10[%shift_right_arithmetic3A_25, %and3A_48, %parallel_loop3A_262], %parallel_loop3A_266 : memref<8x8x128xf32, #tpu.memory_space<vmem>>[vector<16xi32>, vector<16xi32>, vector<16xi32>], vector<16xf32>,
        %parallel_loop3A_267 = tpu.vector_load_idx %arg8[%parallel_loop3A_262, %add3A_11] : memref<128x64xf32, #tpu.memory_space<vmem>>[vector<16xi32>, vector<16xi32>], vector<16xf32>,
        %parallel_loop3A_268 = arith.addf %parallel_loop3A_267, %get3A_154 : vector<16xf32>
        tpu.vector_store_idx %arg10[%shift_right_arithmetic3A_31, %and3A_54, %parallel_loop3A_262], %parallel_loop3A_268 : memref<8x8x128xf32, #tpu.memory_space<vmem>>[vector<16xi32>, vector<16xi32>, vector<16xi32>], vector<16xf32>,
        %parallel_loop3A_269 = tpu.vector_load_idx %arg8[%parallel_loop3A_262, %add3A_14] : memref<128x64xf32, #tpu.memory_space<vmem>>[vector<16xi32>, vector<16xi32>], vector<16xf32>,
        %parallel_loop3A_270 = arith.addf %parallel_loop3A_269, %get3A_157 : vector<16xf32>
        tpu.vector_store_idx %arg10[%shift_right_arithmetic3A_37, %and3A_60, %parallel_loop3A_262], %parallel_loop3A_270 : memref<8x8x128xf32, #tpu.memory_space<vmem>>[vector<16xi32>, vector<16xi32>, vector<16xi32>], vector<16xf32>,
      } {sc.loop_unroll_factor = 4 : i64, sc.parallel_access}
      %dma_start3A_160 = arith.constant 0 : i32
      %dma_start3A_161 = arith.constant 0 : i32
      %dma_start3A_162 = arith.constant 0 : i32
      %dma_start3A_163 = tpu.memref_slice %arg5[%select_n3A, %dma_start3A_160, %select_n3A_133, %dma_start3A_161, %dma_start3A_162] : memref<200x8x8x8x128xf32, #tpu.memory_space<hbm>> -> memref<1x8x1x8x128xf32, #tpu.memory_space<hbm>>
      %dma_start3A_164 = tpu.memref_squeeze %dma_start3A_163 : memref<1x8x1x8x128xf32, #tpu.memory_space<hbm>> -> memref<8x8x128xf32, #tpu.memory_space<hbm>>
      %dma_start3A_165 = arith.constant 0 : i32
      %dma_start3A_166 = arith.constant 0 : i32
      %dma_start3A_167 = arith.constant 0 : i32
      %dma_start3A_168 = tpu.memref_slice %arg5[%select_n3A, %dma_start3A_165, %select_n3A_133, %dma_start3A_166, %dma_start3A_167] : memref<200x8x8x8x128xf32, #tpu.memory_space<hbm>> -> memref<1x8x1x8x128xf32, #tpu.memory_space<hbm>>
      %dma_start3A_169 = tpu.memref_squeeze %dma_start3A_168 : memref<1x8x1x8x128xf32, #tpu.memory_space<hbm>> -> memref<8x8x128xf32, #tpu.memory_space<hbm>>
      tpu.enqueue_dma source(%arg10 : memref<8x8x128xf32, #tpu.memory_space<vmem>>) target(%dma_start3A_169 : memref<8x8x128xf32, #tpu.memory_space<hbm>>) target_semaphore(%arg14 : memref<!tpu.dma_semaphore, #tpu.memory_space<semaphore_mem>>)
      %mul3A_170 = arith.constant 2 : i32
      %mul3A_171 = arith.muli %scan3A_96, %mul3A_170 : i32
      %add3A_172 = arith.constant 1 : i32
      %add3A_173 = arith.addi %mul3A_171, %add3A_172 : i32
      %add3A_174 = arith.addi %mul3A_2, %add3A_173 : i32
      %jit3A_175 = arith.constant 8 : i32
      %div3A_176 = arith.divsi %add3A_174, %jit3A_175 : i32
      %sign3A_177 = arith.constant 0 : i32
      %sign3A_178 = arith.cmpi sgt, %add3A_174, %sign3A_177 : i32
      %sign3A_179 = arith.extui %sign3A_178 : i1 to i32
      %sign3A_180 = arith.constant 0 : i32
      %sign3A_181 = arith.cmpi slt, %add3A_174, %sign3A_180 : i32
      %sign3A_182 = arith.extui %sign3A_181 : i1 to i32
      %sign3A_183 = arith.subi %sign3A_179, %sign3A_182 : i32
      %sign3A_184 = arith.constant 0 : i32
      %sign3A_185 = arith.cmpi sgt, %jit3A_175, %sign3A_184 : i32
      %sign3A_186 = arith.extui %sign3A_185 : i1 to i32
      %sign3A_187 = arith.constant 0 : i32
      %sign3A_188 = arith.cmpi slt, %jit3A_175, %sign3A_187 : i32
      %sign3A_189 = arith.extui %sign3A_188 : i1 to i32
      %sign3A_190 = arith.subi %sign3A_186, %sign3A_189 : i32
      %ne3A_191 = arith.cmpi ne, %sign3A_183, %sign3A_190 : i32
      %rem3A_192 = arith.remsi %add3A_174, %jit3A_175 : i32
      %ne3A_193 = arith.constant 0 : i32
      %ne3A_194 = arith.cmpi ne, %rem3A_192, %ne3A_193 : i32
      %and3A_195 = arith.andi %ne3A_191, %ne3A_194 : i1
      %sub3A_196 = arith.constant 1 : i32
      %sub3A_197 = arith.subi %div3A_176, %sub3A_196 : i32
      %select_n3A_198 = arith.select %and3A_195, %sub3A_197, %div3A_176 : i32
      %jit3A_199 = arith.constant 8 : i32
      %eq3A_200 = arith.constant 0 : i32
      %eq3A_201 = arith.cmpi eq, %jit3A_199, %eq3A_200 : i32
      %jit3A_202 = arith.constant 1 : i32
      %select_n3A_203 = arith.select %eq3A_201, %jit3A_202, %jit3A_199 : i32
      %rem3A_204 = arith.remsi %add3A_174, %select_n3A_203 : i32
      %ne3A_205 = arith.constant 0 : i32
      %ne3A_206 = arith.cmpi ne, %rem3A_204, %ne3A_205 : i32
      %lt3A_207 = arith.constant 0 : i32
      %lt3A_208 = arith.cmpi slt, %rem3A_204, %lt3A_207 : i32
      %lt3A_209 = arith.constant 0 : i32
      %lt3A_210 = arith.cmpi slt, %select_n3A_203, %lt3A_209 : i32
      %ne3A_211 = arith.xori %lt3A_208, %lt3A_210 : i1
      %and3A_212 = arith.andi %ne3A_211, %ne3A_206 : i1
      %add3A_213 = arith.addi %rem3A_204, %select_n3A_203 : i32
      %select_n3A_214 = arith.select %and3A_212, %add3A_213, %rem3A_204 : i32
      %lt3A_215 = arith.constant 49 : i32
      %lt3A_216 = arith.cmpi slt, %add3A_173, %lt3A_215 : i32
      %convert_element_type3A_217 = arith.extui %lt3A_216 : i1 to i32
      %cond3A_218 = arith.constant 0 : i32
      %cond3A_219 = arith.cmpi ne, %convert_element_type3A_217, %cond3A_218 : i32
      scf.if %cond3A_219 {
        %add3A_257 = arith.constant 1 : i32
        %add3A_258 = arith.addi %add3A_173, %add3A_257 : i32
        %dma_start3A_259 = arith.constant 0 : i32
        %dma_start3A_260 = tpu.memref_slice %arg6[%add3A_258, %dma_start3A_259] : memref<50x128xi32, #tpu.memory_space<vmem>> -> memref<1x128xi32, #tpu.memory_space<vmem>>
        %dma_start3A_261 = tpu.memref_squeeze %dma_start3A_260 : memref<1x128xi32, #tpu.memory_space<vmem>> -> memref<128xi32, #tpu.memory_space<vmem>>
        %dma_start3A_262 = arith.constant 0 : i32
        %dma_start3A_263 = arith.constant 0 : i32
        %dma_start3A_264 = tpu.memref_slice %arg3[%dma_start3A_262, %dma_start3A_263] : memref<100000x64xf32, #tpu.memory_space<hbm>> -> memref<100000x64xf32, #tpu.memory_space<hbm>>
        tpu.enqueue_indirect_dma source(%dma_start3A_264 : memref<100000x64xf32, #tpu.memory_space<hbm>>) target(%arg8 : memref<128x64xf32, #tpu.memory_space<vmem>>) offsets(%dma_start3A_261 : memref<128xi32, #tpu.memory_space<vmem>>) semaphore(%arg12 : memref<!tpu.dma_semaphore, #tpu.memory_space<semaphore_mem>>)
      } else {
      }
      %ge3A_220 = arith.constant 1 : i32
      %ge3A_221 = arith.cmpi sge, %scan3A_96, %ge3A_220 : i32
      %convert_element_type3A_222 = arith.extui %ge3A_221 : i1 to i32
      %cond3A_223 = arith.constant 0 : i32
      %cond3A_224 = arith.cmpi ne, %convert_element_type3A_222, %cond3A_223 : i32
      scf.if %cond3A_224 {
        %dma_wait3A_257 = arith.constant 0 : i32
        %dma_wait3A_258 = arith.constant 0 : i32
        %dma_wait3A_259 = arith.constant 0 : i32
        %dma_wait3A_260 = arith.constant 0 : i32
        %dma_wait3A_261 = arith.constant 0 : i32
        %dma_wait3A_262 = tpu.memref_slice %arg5[%dma_wait3A_257, %dma_wait3A_259, %dma_wait3A_258, %dma_wait3A_260, %dma_wait3A_261] : memref<200x8x8x8x128xf32, #tpu.memory_space<hbm>> -> memref<1x8x1x8x128xf32, #tpu.memory_space<hbm>>
        %dma_wait3A_263 = tpu.memref_squeeze %dma_wait3A_262 : memref<1x8x1x8x128xf32, #tpu.memory_space<hbm>> -> memref<8x8x128xf32, #tpu.memory_space<hbm>>
        %dma_wait3A_264 = arith.constant 0 : i32
        %dma_wait3A_265 = arith.constant 0 : i32
        %dma_wait3A_266 = arith.constant 0 : i32
        %dma_wait3A_267 = tpu.memref_slice %arg5[%dma_wait3A_257, %dma_wait3A_264, %dma_wait3A_258, %dma_wait3A_265, %dma_wait3A_266] : memref<200x8x8x8x128xf32, #tpu.memory_space<hbm>> -> memref<1x8x1x8x128xf32, #tpu.memory_space<hbm>>
        %dma_wait3A_268 = tpu.memref_squeeze %dma_wait3A_267 : memref<1x8x1x8x128xf32, #tpu.memory_space<hbm>> -> memref<8x8x128xf32, #tpu.memory_space<hbm>>
        tpu.wait_dma2 semaphore(%arg14 : memref<!tpu.dma_semaphore, #tpu.memory_space<semaphore_mem>>) src(%arg11 : memref<8x8x128xf32, #tpu.memory_space<vmem>>) dst(%dma_wait3A_268 : memref<8x8x128xf32, #tpu.memory_space<hbm>>)
      } else {
      }
      %dma_wait3A_225 = arith.constant 0 : i32
      %dma_wait3A_226 = tpu.memref_slice %arg6[%add3A_173, %dma_wait3A_225] : memref<50x128xi32, #tpu.memory_space<vmem>> -> memref<1x128xi32, #tpu.memory_space<vmem>>
      %dma_wait3A_227 = tpu.memref_squeeze %dma_wait3A_226 : memref<1x128xi32, #tpu.memory_space<vmem>> -> memref<128xi32, #tpu.memory_space<vmem>>
      %dma_wait3A_228 = arith.constant 0 : i32
      %dma_wait3A_229 = arith.constant 0 : i32
      %dma_wait3A_230 = tpu.memref_slice %arg3[%dma_wait3A_228, %dma_wait3A_229] : memref<100000x64xf32, #tpu.memory_space<hbm>> -> memref<100000x64xf32, #tpu.memory_space<hbm>>
      tpu.wait_indirect_dma semaphore(%arg13 : memref<!tpu.dma_semaphore, #tpu.memory_space<semaphore_mem>>) src(%dma_wait3A_230 : memref<100000x64xf32, #tpu.memory_space<hbm>>) dst(%arg9 : memref<128x64xf32, #tpu.memory_space<vmem>>)
      %get3A_231 = arith.index_cast %select_n3A_198 : i32 to index
      %get3A_232 = arith.constant 0 : index
      %get3A_233 = tpu.vector_load %arg7[%get3A_231, %get3A_232] {strides = array<i32>} : memref<200x64xf32, #tpu.memory_space<vmem>>, vector<16xf32>,
      %get3A_234 = arith.index_cast %select_n3A_198 : i32 to index
      %get3A_235 = arith.constant 16 : index
      %get3A_236 = tpu.vector_load %arg7[%get3A_234, %get3A_235] {strides = array<i32>} : memref<200x64xf32, #tpu.memory_space<vmem>>, vector<16xf32>,
      %get3A_237 = arith.index_cast %select_n3A_198 : i32 to index
      %get3A_238 = arith.constant 32 : index
      %get3A_239 = tpu.vector_load %arg7[%get3A_237, %get3A_238] {strides = array<i32>} : memref<200x64xf32, #tpu.memory_space<vmem>>, vector<16xf32>,
      %get3A_240 = arith.index_cast %select_n3A_198 : i32 to index
      %get3A_241 = arith.constant 48 : index
      %get3A_242 = tpu.vector_load %arg7[%get3A_240, %get3A_241] {strides = array<i32>} : memref<200x64xf32, #tpu.memory_space<vmem>>, vector<16xf32>,
      %parallel_loop3A_243 = arith.constant 0 : i32
      %parallel_loop3A_244 = arith.constant 128 : i32
      %parallel_loop3A_245 = arith.constant 1 : i32
      scf.for %parallel_loop3A_257 = %parallel_loop3A_243 to %parallel_loop3A_244 step %parallel_loop3A_245  : i32 {
        %parallel_loop3A_258 = vector.broadcast %parallel_loop3A_257 : i32 to vector<16xi32>
        %parallel_loop3A_259 = arith.addi %iota3A, %parallel_loop3A_258 : vector<16xi32>
        %parallel_loop3A_260 = arith.constant 127 : i32
        %parallel_loop3A_261 = vector.broadcast %parallel_loop3A_260 : i32 to vector<16xi32>
        %parallel_loop3A_262 = arith.andi %parallel_loop3A_259, %parallel_loop3A_261 : vector<16xi32>
        %parallel_loop3A_263 = tpu.vector_load_idx %arg9[%parallel_loop3A_262, %add3A_5] : memref<128x64xf32, #tpu.memory_space<vmem>>[vector<16xi32>, vector<16xi32>], vector<16xf32>,
        %parallel_loop3A_264 = arith.addf %parallel_loop3A_263, %get3A_233 : vector<16xf32>
        tpu.vector_store_idx %arg11[%shift_right_arithmetic3A_19, %and3A_42, %parallel_loop3A_262], %parallel_loop3A_264 : memref<8x8x128xf32, #tpu.memory_space<vmem>>[vector<16xi32>, vector<16xi32>, vector<16xi32>], vector<16xf32>,
        %parallel_loop3A_265 = tpu.vector_load_idx %arg9[%parallel_loop3A_262, %add3A_8] : memref<128x64xf32, #tpu.memory_space<vmem>>[vector<16xi32>, vector<16xi32>], vector<16xf32>,
        %parallel_loop3A_266 = arith.addf %parallel_loop3A_265, %get3A_236 : vector<16xf32>
        tpu.vector_store_idx %arg11[%shift_right_arithmetic3A_25, %and3A_48, %parallel_loop3A_262], %parallel_loop3A_266 : memref<8x8x128xf32, #tpu.memory_space<vmem>>[vector<16xi32>, vector<16xi32>, vector<16xi32>], vector<16xf32>,
        %parallel_loop3A_267 = tpu.vector_load_idx %arg9[%parallel_loop3A_262, %add3A_11] : memref<128x64xf32, #tpu.memory_space<vmem>>[vector<16xi32>, vector<16xi32>], vector<16xf32>,
        %parallel_loop3A_268 = arith.addf %parallel_loop3A_267, %get3A_239 : vector<16xf32>
        tpu.vector_store_idx %arg11[%shift_right_arithmetic3A_31, %and3A_54, %parallel_loop3A_262], %parallel_loop3A_268 : memref<8x8x128xf32, #tpu.memory_space<vmem>>[vector<16xi32>, vector<16xi32>, vector<16xi32>], vector<16xf32>,
        %parallel_loop3A_269 = tpu.vector_load_idx %arg9[%parallel_loop3A_262, %add3A_14] : memref<128x64xf32, #tpu.memory_space<vmem>>[vector<16xi32>, vector<16xi32>], vector<16xf32>,
        %parallel_loop3A_270 = arith.addf %parallel_loop3A_269, %get3A_242 : vector<16xf32>
        tpu.vector_store_idx %arg11[%shift_right_arithmetic3A_37, %and3A_60, %parallel_loop3A_262], %parallel_loop3A_270 : memref<8x8x128xf32, #tpu.memory_space<vmem>>[vector<16xi32>, vector<16xi32>, vector<16xi32>], vector<16xf32>,
      } {sc.loop_unroll_factor = 4 : i64, sc.parallel_access}
      %dma_start3A_246 = arith.constant 0 : i32
      %dma_start3A_247 = arith.constant 0 : i32
      %dma_start3A_248 = arith.constant 0 : i32
      %dma_start3A_249 = tpu.memref_slice %arg5[%select_n3A_198, %dma_start3A_246, %select_n3A_214, %dma_start3A_247, %dma_start3A_248] : memref<200x8x8x8x128xf32, #tpu.memory_space<hbm>> -> memref<1x8x1x8x128xf32, #tpu.memory_space<hbm>>
      %dma_start3A_250 = tpu.memref_squeeze %dma_start3A_249 : memref<1x8x1x8x128xf32, #tpu.memory_space<hbm>> -> memref<8x8x128xf32, #tpu.memory_space<hbm>>
      %dma_start3A_251 = arith.constant 0 : i32
      %dma_start3A_252 = arith.constant 0 : i32
      %dma_start3A_253 = arith.constant 0 : i32
      %dma_start3A_254 = tpu.memref_slice %arg5[%select_n3A_198, %dma_start3A_251, %select_n3A_214, %dma_start3A_252, %dma_start3A_253] : memref<200x8x8x8x128xf32, #tpu.memory_space<hbm>> -> memref<1x8x1x8x128xf32, #tpu.memory_space<hbm>>
      %dma_start3A_255 = tpu.memref_squeeze %dma_start3A_254 : memref<1x8x1x8x128xf32, #tpu.memory_space<hbm>> -> memref<8x8x128xf32, #tpu.memory_space<hbm>>
      tpu.enqueue_dma source(%arg11 : memref<8x8x128xf32, #tpu.memory_space<vmem>>) target(%dma_start3A_255 : memref<8x8x128xf32, #tpu.memory_space<hbm>>) target_semaphore(%arg14 : memref<!tpu.dma_semaphore, #tpu.memory_space<semaphore_mem>>)
      %scan3A_256 = arith.constant 0 : i32
      scf.yield %scan3A_256 : i32
    }
    %scan3A_72 = arith.constant 25 : i32
    %dma_wait3A = arith.constant 0 : i32
    %dma_wait3A_73 = arith.constant 0 : i32
    %dma_wait3A_74 = arith.constant 0 : i32
    %dma_wait3A_75 = arith.constant 0 : i32
    %dma_wait3A_76 = arith.constant 0 : i32
    %dma_wait3A_77 = tpu.memref_slice %arg5[%dma_wait3A, %dma_wait3A_74, %dma_wait3A_73, %dma_wait3A_75, %dma_wait3A_76] : memref<200x8x8x8x128xf32, #tpu.memory_space<hbm>> -> memref<1x8x1x8x128xf32, #tpu.memory_space<hbm>>
    %dma_wait3A_78 = tpu.memref_squeeze %dma_wait3A_77 : memref<1x8x1x8x128xf32, #tpu.memory_space<hbm>> -> memref<8x8x128xf32, #tpu.memory_space<hbm>>
    %dma_wait3A_79 = arith.constant 0 : i32
    %dma_wait3A_80 = arith.constant 0 : i32
    %dma_wait3A_81 = arith.constant 0 : i32
    %dma_wait3A_82 = tpu.memref_slice %arg5[%dma_wait3A, %dma_wait3A_79, %dma_wait3A_73, %dma_wait3A_80, %dma_wait3A_81] : memref<200x8x8x8x128xf32, #tpu.memory_space<hbm>> -> memref<1x8x1x8x128xf32, #tpu.memory_space<hbm>>
    %dma_wait3A_83 = tpu.memref_squeeze %dma_wait3A_82 : memref<1x8x1x8x128xf32, #tpu.memory_space<hbm>> -> memref<8x8x128xf32, #tpu.memory_space<hbm>>
    tpu.wait_dma2 semaphore(%arg14 : memref<!tpu.dma_semaphore, #tpu.memory_space<semaphore_mem>>) src(%arg10 : memref<8x8x128xf32, #tpu.memory_space<vmem>>) dst(%dma_wait3A_83 : memref<8x8x128xf32, #tpu.memory_space<hbm>>)
    %dma_wait3A_84 = arith.constant 0 : i32
    %dma_wait3A_85 = arith.constant 0 : i32
    %dma_wait3A_86 = arith.constant 0 : i32
    %dma_wait3A_87 = arith.constant 0 : i32
    %dma_wait3A_88 = arith.constant 0 : i32
    %dma_wait3A_89 = tpu.memref_slice %arg5[%dma_wait3A_84, %dma_wait3A_86, %dma_wait3A_85, %dma_wait3A_87, %dma_wait3A_88] : memref<200x8x8x8x128xf32, #tpu.memory_space<hbm>> -> memref<1x8x1x8x128xf32, #tpu.memory_space<hbm>>
    %dma_wait3A_90 = tpu.memref_squeeze %dma_wait3A_89 : memref<1x8x1x8x128xf32, #tpu.memory_space<hbm>> -> memref<8x8x128xf32, #tpu.memory_space<hbm>>
    %dma_wait3A_91 = arith.constant 0 : i32
    %dma_wait3A_92 = arith.constant 0 : i32
    %dma_wait3A_93 = arith.constant 0 : i32
    %dma_wait3A_94 = tpu.memref_slice %arg5[%dma_wait3A_84, %dma_wait3A_91, %dma_wait3A_85, %dma_wait3A_92, %dma_wait3A_93] : memref<200x8x8x8x128xf32, #tpu.memory_space<hbm>> -> memref<1x8x1x8x128xf32, #tpu.memory_space<hbm>>
    %dma_wait3A_95 = tpu.memref_squeeze %dma_wait3A_94 : memref<1x8x1x8x128xf32, #tpu.memory_space<hbm>> -> memref<8x8x128xf32, #tpu.memory_space<hbm>>
    tpu.wait_dma2 semaphore(%arg14 : memref<!tpu.dma_semaphore, #tpu.memory_space<semaphore_mem>>) src(%arg11 : memref<8x8x128xf32, #tpu.memory_space<vmem>>) dst(%dma_wait3A_95 : memref<8x8x128xf32, #tpu.memory_space<hbm>>)
    return
  }
}

</mosaic_0001>

<sc_bundles>
// kernel: kernel.3.cloned.1.call-start
scs
__scs_entry_jumppad:
0x0: {  	(pc) =	sbr.rel $0x88, $3  }
0x1: {  	(tag) =	ssettag $0x0;
	lr =	simm.s32 $0x1  }
0x2: {  	[smem:$0x3F9E] =	sst lr;
	_ =	strace $0xD0000000  }
0x3: {  	_ = 	snop  }
0x4: {  	_ = 	snop  }
0x5: {  	_ = 	snop  }
0x6: {  	_ = 	snop  }
0x7: {  	_ = 	snop  }
__scs_overlays_trampoline_lowered:
0x8: {  	[smem:$0x3FAD] =	sst s0  }
0x9: {  	[smem:$0x3FAE] =	sst s1  }
0xa: {  	[smem:$0x3FAF] =	sst s2  }
0xb: {  	[smem:$0x3FB0] =	sst s3  }
0xc: {  	[smem:$0x3FB1] =	sst s4  }
0xd: {  	[smem:$0x3FB2] =	sst s5  }
0xe: {  	[smem:$0x3FB3] =	sst s6  }
0xf: {  	[smem:$0x3FB4] =	sst s7  }
0x10: {  	[smem:$0x3FB5] =	sst s8  }
0x11: {  	[smem:$0x3FB6] =	sst s9;
	s0 =	simm.s32 @!p0 $0x0  }
0x12: {  	s1 =	sld [smem:$0x3F9C];
	s0 =	simm.s32 @p0 $0x1  }
0x13: {  	[smem:$0x3FB7] =	sst s0;
	s0 =	simm.s32 @!p1 $0x0  }
0x14: {  	s2 =	sld [smem:$0x3F9B];
	s0 =	simm.s32 @p1 $0x1  }
0x15: {  	[smem:$0x3FB8] =	sst s0;
	s0 =	simm.s32 @!p2 $0x0  }
0x16: {  	s3 =	sld [smem:$0x3FDB];
	s0 =	simm.s32 @p2 $0x1  }
0x17: {  	s4 =	simm.s32 $0x1BF5;
	[smem:$0x3FBA] =	sst s0  }
0x18: {  	s0 =	sld [smem:$0x3F9D];
	_ =	swait.ge [sflag:s4], $0x0  }
0x19: {  	s7 =	sld [smem:$0x3F9E]  }
0x1a: {  	s8 =	sadd.s32 $0xFFFFE003, lr  }
0x1b: {  	s9 =	sadd.s32 $0xFFFFFEF7, lr;
	s5 =	simm.s32 $0xFFFFFFFF;
	p2 =	slt.u32 s8, $0xFFFFF086  }
0x1c: {  	p1 =	slt.u32 s9, $0xF7A;
	s5 =	simm.s32 @!p2 $0x0  }
0x1d: {  	s5 =	simm.s32 @p1 $0x1;
	p0 =	seq.s32 s7, s2  }
0x1e: {  	s7 =	smul.u32 @!p0 $0xF7A, s2;
	p2 =	seq.s32 @!p0 s5, $0x0  }
0x1f: {  	s9 =	smul.u32 $0xF7A, s1;
	s8 =	simm.s32 @!p0 $0x1BF5;
	p2 =	por !p2, p0  }
0x20: {  	[sflag:s8] =	ssyncset.s32 @!p0 $0xFFFFF086;
	s6 =	sadd.s32 @!p0 s3, s7;
	s7 =	simm.s32 @!p0 $0x108  }
0x21: {  	s3 =	sadd.s32 s3, s9;
	s6 =	sadd.s32 @!p0 $0x88, s6;
	s7 =	simm.s32 @p2 $0x1082  }
0x22: {  	[simem:s7], [sflag:s8] =	dma.local @!p0 [hbm:s6], $0xF7A  }
0x23: {  	s9 =	sor.u32 $0xD0000000, s2;
	s6 =	simm.s32 $0x108;
	_ =	swait.ge @!p0 [sflag:s8], $0x0  }
0x24: {  	s3 =	sadd.s32 $0x88, s3;
	s6 =	simm.s32 @!p1 $0x1082;
	[sflag:s4] =	ssyncset.s32 $0xFFFFF086  }
0x25: {  	[simem:s6], [sflag:s4] =	dma.local [hbm:s3], $0xF7A  }
0x26: {  	[smem:$0x3F9E] =	sst s1;
	(tag) =	ssettag s2;
	_ =	strace s9  }
0x27: {  	s1 =	sld [smem:$0x3FAE]  }
0x28: {  	s2 =	sld [smem:$0x3FAF]  }
0x29: {  	s4 =	sld [smem:$0x3FB1]  }
0x2a: {  	p0 =	seq.s32 s5, $0x0;
	s5 =	sld [smem:$0x3FB2]  }
0x2b: {  	s6 =	sld [smem:$0x3FB3]  }
0x2c: {  	s7 =	sld [smem:$0x3FB4]  }
0x2d: {  	s3 =	simm.s32 $0x108;
	s8 =	sld [smem:$0x3FB5]  }
0x2e: {  	s3 =	simm.s32 @!p0 $0x1082;
	s9 =	sld [smem:$0x3FB6]  }
0x2f: {  	lr =	sadd.s32 s0, s3;
	s0 =	sld [smem:$0x3FAD]  }
0x30: {  	s3 =	sld [smem:$0x3FB0]  }
0x31: {  	[smem:$0x3FB9] =	sst s10  }
0x32: {  	s10 =	sld [smem:$0x3FB7];
	_ =	sdelay $0x3  }
0x33: {  	p0 =	seq.s32 s10, $0x1;
	s10 =	sld [smem:$0x3FB9];
	_ =	sdelay $0x3  }
0x34: {  	[smem:$0x3FB9] =	sst s10  }
0x35: {  	s10 =	sld [smem:$0x3FB8];
	_ =	sdelay $0x3  }
0x36: {  	p1 =	seq.s32 s10, $0x1;
	s10 =	sld [smem:$0x3FB9];
	_ =	sdelay $0x3  }
0x37: {  	[smem:$0x3FB9] =	sst s10  }
0x38: {  	s10 =	sld [smem:$0x3FBA]  }
0x39: {  	_ = 	snop;
	(pc) =	sbr.ind lr, $3  }
0x3a: {  	_ = 	snop  }
0x3b: {  	_ = 	snop  }
0x3c: {  	p2 =	seq.s32 s10, $0x1;
	s10 =	sld [smem:$0x3FB9]  }
0x3d: {  	_ =	shalt  }
0x3e: {  	_ =	shalt  }
0x3f: {  	_ =	shalt  }
0x40: {  	_ =	shalt  }
0x41: {  	_ =	shalt  }
0x42: {  	_ =	shalt  }
0x43: {  	_ =	shalt  }
0x44: {  	_ =	shalt  }
0x45: {  	_ =	shalt  }
0x46: {  	_ =	shalt  }
0x47: {  	_ =	shalt  }
0x48: {  	_ =	shalt  }
0x49: {  	_ =	shalt  }
0x4a: {  	_ =	shalt  }
0x4b: {  	_ =	shalt  }
0x4c: {  	_ =	shalt  }
0x4d: {  	_ =	shalt  }
0x4e: {  	_ =	shalt  }
0x4f: {  	_ =	shalt  }
0x50: {  	_ =	shalt  }
0x51: {  	_ =	shalt  }
0x52: {  	_ =	shalt  }
0x53: {  	_ =	shalt  }
0x54: {  	_ =	shalt  }
0x55: {  	_ =	shalt  }
0x56: {  	_ =	shalt  }
0x57: {  	_ =	shalt  }
0x58: {  	_ =	shalt  }
0x59: {  	_ =	shalt  }
0x5a: {  	_ =	shalt  }
0x5b: {  	_ =	shalt  }
0x5c: {  	_ =	shalt  }
0x5d: {  	_ =	shalt  }
0x5e: {  	_ =	shalt  }
0x5f: {  	_ =	shalt  }
0x60: {  	_ =	shalt  }
0x61: {  	_ =	shalt  }
0x62: {  	_ =	shalt  }
0x63: {  	_ =	shalt  }
0x64: {  	_ =	shalt  }
0x65: {  	_ =	shalt  }
0x66: {  	_ =	shalt  }
0x67: {  	_ =	shalt  }
0x68: {  	_ =	shalt  }
0x69: {  	_ =	shalt  }
0x6a: {  	_ =	shalt  }
0x6b: {  	_ =	shalt  }
0x6c: {  	_ =	shalt  }
0x6d: {  	_ =	shalt  }
0x6e: {  	_ =	shalt  }
0x6f: {  	_ =	shalt  }
0x70: {  	_ =	shalt  }
0x71: {  	_ =	shalt  }
0x72: {  	_ =	shalt  }
0x73: {  	_ =	shalt  }
0x74: {  	_ =	shalt  }
0x75: {  	_ =	shalt  }
0x76: {  	_ =	shalt  }
0x77: {  	_ =	shalt  }
0x78: {  	_ =	shalt  }
0x79: {  	_ =	shalt  }
0x7a: {  	_ =	shalt  }
0x7b: {  	_ =	shalt  }
0x7c: {  	_ =	shalt  }
0x7d: {  	_ =	shalt  }
0x7e: {  	_ =	shalt  }
0x7f: {  	_ =	shalt  }
0x80: {  	_ =	shalt  }
0x81: {  	_ =	shalt  }
0x82: {  	_ =	shalt  }
0x83: {  	_ =	shalt  }
0x84: {  	_ =	shalt  }
0x85: {  	_ =	shalt  }
0x86: {  	_ =	shalt  }
0x87: {  	_ =	shalt  }
.Lfunc_end0:
.L_simem_size_0:
called_computation_lowered:
.L_overlay_start_0:
0x88: {  	s2 =	sld [smem:$0x3FD9]  }
0x89: {  	s3 =	sld [smem:$0x3FFE];
	_ =	sdelay $0x1  }
0x8a: {  	s1 =	srdreg.scid  }
0x8b: {  	s0 =	sand.u32 $0x1, s1  }
0x8c: {  	s17 =	sshll.u32 s0, $0xA;
	s2 =	sadd.s32 s3, s2  }
0x8d: {  	s2 =	sadd.s32 s2, s17  }
0x8e: {  	[smem:$0x3FC5] =	sst s2  }
0x8f: {  	_ = 	snop  }
0x90: {  	s2 =	sld [smem:$0x3FD0];
	(tm) =	ssettm $0x1  }
0x91: {  	s18 =	sld [smem:$0x3FFB];
	_ =	sdelay $0x3  }
0x92: {  	_ =	strace s18  }
0x93: {  	s3 =	sld [smem:$0x3FFC];
	_ =	sdelay $0x3  }
0x94: {  	_ =	strace s3  }
0x95: {  	s3 =	sld [smem:$0x3FFD];
	_ =	sdelay $0x3  }
0x96: {  	_ =	strace s3  }
0x97: {  	_ =	strace $0x8FFFFFFF  }
0x98: {  	s19 =	sld [smem:$0x3FDB];
	_ =	sdelay $0x1  }
0x99: {  	s4 =	simm.s32 $_scs_section_size  }
0x9a: {  	s5 =	simm.s32 $_size__tile_overlayer_lowered;
	s6 =	simm.s32 $_tile_overlayer_lowered  }
0x9b: {  	s22 =	simm.s32 $0x1BFF;
	s21 =	sshll.u32 s6, $0x1;
	s3 =	sadd.s32 s4, s19  }
0x9c: {  	s7 =	simm.s32 $0x0;
	s20 =	sshll.u32 s5, $0x1;
	s5 =	sadd.s32 s21, s3  }
0x9d: {  	[timem:s7], [sflag:s22] =	dma.local [hbm:s5], s20  }
0x9e: {  	_ =	swait.ge [sflag:s22], s20  }
0x9f: {  	s4 =	ssub.s32 $0x0, s20;
	[sflag:s22] =	ssyncset.done $0x0  }
0xa0: {  	[sflag:s22] =	ssyncadd.s32 s4;
	_ =	sdelay $0x1  }
0xa1: {  	s23 =	simm.s32 $0x1B8B  }
0xa2: {  	_ =	swait.ge [sflag:s23], $0x1  }
0xa3: {  	[sflag:s23] =	ssyncset.done $0x0  }
0xa4: {  	s25 =	simm.s32 $0x1B8E;
	s24 =	sld [smem:$0x3FFE];
	[sflag:s23] =	ssyncadd.s32 $0xFFFFFFFF  }
0xa5: {  	s26 =	simm.s32 $execute0_lowered;
	[smem:$0x3FD2] =	sst s25  }
0xa6: {  	s5 =	sshll.u32 s26, $0x1;
	_ =	strace $0x80000046;
	[dreg:$0x1] =	wrdreg $0xFFFFFFFF  }
0xa7: {  	s28 =	simm.s32 $_size_execute0_lowered;
	s3 =	sadd.s32 s3, s5;
	[dreg:$0x0] =	wrdreg $0x0  }
0xa8: {  	s5 =	sshll.u32 s28, $0x1;
	[dreg:$0x2] =	wrdreg s3  }
0xa9: {  	[dreg:$0x3] =	wrdreg s5  }
0xaa: {  	[dreg:$0x4] =	wrdreg $0xC0  }
0xab: {  	_ =	task [dreg:s7], $0x5FFFF  }
0xac: {  	[dreg:$0x1] =	wrdreg $0xFFFFFFFF  }
0xad: {  	[dreg:$0x0] =	wrdreg $0x60  }
0xae: {  	[dreg:$0x2] =	wrdreg s24  }
0xaf: {  	[dreg:$0x3] =	wrdreg s2  }
0xb0: {  	[dreg:$0x4] =	wrdreg $0x9  }
0xb1: {  	_ =	task.clear_ibuf [dreg:s7], $0x5FFFF;
	_ =	strace $0x90000046  }
0xb2: {  	s29 =	simm.s32 $0x9;
	_ =	strace $0x80000048  }
0xb3: {  	_ =	swait.ge [sflag:s29], $0x1  }
0xb4: {  	[sflag:s29] =	ssyncadd.s32 $0xFFFFFFFF  }
0xb5: {  	_ =	strace $0x90000048  }
0xb6: {  	_ =	sfence  }
0xb7: {  	s30 =	sld [smem:$0x0];
	_ =	sdelay $0x2  }
0xb8: {  	s31 =	sshll.u32 s1, $0xD;
	s1 =	sshrl.u32 s1, $0x2  }
0xb9: {  	s3 =	sand.u32 $0x4000, s31;
	s1 =	sadd.s32 s1, s30  }
0xba: {  	s0 =	sor.u32 s3, s0;
	s1 =	sshll.u32 s1, $0x11  }
0xbb: {  	s0 =	sor.u32 s1, s0  }
0xbc: {  	s0 =	sadd.s32 $0x8F2B, s0  }
0xbd: {  	[sflag:s0] =	ssyncadd.remote.s32 $0x1  }
0xbe: {  	_ =	sfence.sel $0xFFFF  }
0xbf: {  	[dreg:$0x0] =	wrdreg $0xFFFFFFFF;
	(pc) =	sbr.abs _section_cstart, $3  }
0xc0: {  	[dreg:$0x1] =	wrdreg $0xFFFFFFFF  }
0xc1: {  	_ =	task.clear_ibuf [dreg:s7], $0x2FFFF;
	_ =	strace $0x9FFFFFFF  }
0xc2: {  	(tm) =	ssettm $0x7FFFFFFF  }
0xc3: {  	_ =	shalt  }
tec
execute0_lowered:
.L_overlay_start_1:
0x0: {  	(tag) =	ssettag $0x1  }
0x1: {  	s5 =	rddreg [dreg:$0x0];
	s1 =	srdreg.scid  }
0x2: {  	s0 =	stileid.u32;
	s2 =	rddreg [dreg:$0x1]  }
0x3: {  	s3 =	simm.s32 $0x0;
	s10 =	simm.s32 $0x1900;
	s11 =	simm.s32 $0x80  }
0x4: {  	s12 =	simm.s32 $0x4B00;
	s13 =	simm.s32 $0x6B00;
	s14 =	simm.s32 $0x1  }
0x5: {  	s15 =	simm.s32 $0x8B00;
	s16 =	simm.s32 $0x400;
	s17 =	simm.s32 $0x2000  }
0x6: {  	s18 =	simm.s32 $0x2;
	s19 =	simm.s32 $0xAB00;
	s20 =	simm.s32 $0x3  }
0x7: {  	s4 =	sand.u32 $0x1, s1;
	s6 =	sshll.u32 s0, $0x1;
	s1 =	rddreg [dreg:$0x2]  }
0x8: {  	s21 =	simm.s32 $0x0;
	[smem:$0x7FF] =	sst s3;
	s6 =	sor.u32 s4, s6  }
0x9: {  	v0 =	vlaneseq.u32;
	_ =	strace $0x80000047;
	s8 =	ssub.s32 $0x2, s4;
	s7 =	smul.u32 $0x320, s6  }
0xa: {  	v1 =	vmul.u32 $0x80, v0;
	s4 =	sadd.s32 $0x7000, s5;
	s9 =	sshrl.u32 s8, $0x1;
	s6 =	smul.u32 $0x32, s6  }
0xb: {  	v2 =	vor.u32 $0x10, v0;
	v4 =	vor.u32 $0x20, v0;
	v6 =	vor.u32 $0x30, v0;
	s8 =	ssub.s32 s8, s9;
	s9 =	simm.s32 $0x4;
	s7 =	sadd.s32 s7, s5  }
0xc: {  	v3 =	vor.u32 $0x800, v1;
	v5 =	vor.u32 $0x1000, v1;
	v7 =	vor.u32 $0x1800, v1;
	s5 =	sadd.s32 $0x400, s5;
	s8 =	smax.u32 s8, $0x1;
	s7 =	sadd.s32 $0xC00, s7  }
.LBB2_1:
0xd: {  	[tilespmem:s3], [sflag:$0x4] =	stream.linear.gather [hbm4b:s7+s3], $0x1900, $0x38;
	[tilespmem:$0xCB00] =	vst v63  }
0xe: {  	_ =	swait.ge [sflag:s9], $0x1900  }
0xf: {  	[sflag:s9] =	ssyncset.done $0x0  }
0x10: {  	[sflag:s9] =	ssyncadd.s32 $0xFFFFE700  }
0x11: {  	[tilespmem:s10], [sflag:$0x4] =	stream.linear.gather [hbm4b:s5+s3], $0x3200, $0x38;
	[tilespmem:$0xCB00] =	vst v63  }
0x12: {  	_ =	swait.ge [sflag:s9], $0x3200  }
0x13: {  	[sflag:s9] =	ssyncset.done $0x0  }
0x14: {  	s22 =	simm.s32 $0x0;
	[sflag:s9] =	ssyncadd.s32 $0xFFFFCE00  }
0x15: {  	[tilespmem:s12], [sflag:$0x1] =	stream.indirect.gather [hbm4b:s4+s11], $0x40, s3, s11, $0xb8;
	[tilespmem:$0xCB00] =	vst v63  }
.LBB2_2:
0x16: {  	s23 =	sshll.u32 s22, $0x8  }
0x17: {  	p0 =	seq.s32 s22, $0x0;
	s30 =	simm.s32 $0x2;
	s23 =	sand.u32 $0x3FFFFF00, s23  }
0x18: {  	s25 =	simm.s32 $0x1;
	s26 =	simm.s32 @!p0 $0x3;
	s24 =	sor.u32 $0x80, s23  }
0x19: {  	v8 =	vadd.s32 s30, v0;
	[tilespmem:s13], [sflag:$0x2] =	stream.indirect.gather [hbm4b:s4+s11], $0x40, s24, s11, $0xb8;
	[tilespmem:$0xCB00] =	vst v63  }
0x1a: {  	v9 =	vadd.s32 s25, v0;
	v10 =	vshll.u32 v8, $0x6;
	_ =	swait.ge @!p0 [sflag:s26], $0x2000  }
0x1b: {  	s28 =	simm.s32 $0x0;
	v11 =	vshll.u32 v9, $0x6;
	s24 =	sshll.u32 s22, $0x1;
	v23 =	vand.u32 $0x1FC0, v10;
	[sflag:s26] =	ssyncset.done @!p0 $0x0  }
0x1c: {  	v12 =	vadd.s32 s28, v0;
	v25 =	vand.u32 $0x1FC0, v11;
	s25 =	sadd.s32 s6, s24;
	v13 =	vor.u32 v0, v23;
	[sflag:s26] =	ssyncadd.s32 @!p0 $0xFFFFE000  }
0x1d: {  	v10 =	vshll.u32 v12, $0x6;
	v14 =	vor.u32 v0, v25;
	s26 =	sshrl.u32 s25, $0x3;
	_ =	swait.ge [sflag:s14], $0x2000  }
0x1e: {  	s28 =	simm.s32 $0x3;
	v26 =	vand.u32 $0x1FC0, v10;
	s29 =	sshll.u32 s26, $0x6;
	[sflag:s14] =	ssyncset.done $0x0  }
0x1f: {  	v15 =	vadd.s32 s28, v0;
	v10 =	vor.u32 v0, v26;
	s28 =	sand.u32 $0x3FFFFFC0, s29;
	[sflag:s14] =	ssyncadd.s32 $0xFFFFE000  }
0x20: {  	v16 =	vshll.u32 v15, $0x6;
	v11 =	vld [tilespmem:s28+$0x1900]  }
0x21: {  	v29 =	vand.u32 $0x1FC0, v16;
	v13 =	vld.idx.msk [tilespmem:v13+s12+$0x0], $0xffff  }
0x22: {  	v24 =	vand.u32 $0x7F, v8;
	v16 =	vor.u32 v0, v29;
	v14 =	vld.idx.msk [tilespmem:v14+s12+$0x0], $0xffff  }
0x23: {  	v31 =	vand.u32 $0x7F, v9;
	v28 =	vand.u32 $0x7F, v12;
	v18 =	vor.u32 v1, v24  }
0x24: {  	v32 =	vand.u32 $0x7F, v15;
	v12 =	vor.u32 v1, v31;
	v19 =	vor.u32 v1, v28;
	v17 =	vld.idx.msk [tilespmem:v10+s12+$0x0], $0xffff  }
0x25: {  	v36 =	vor.u32 v3, v28;
	v37 =	vor.u32 v3, v31;
	v21 =	vor.u32 v2, v25;
	v10 =	vld [tilespmem:s28+$0x1910]  }
0x26: {  	v63 =	vor.u32 v5, v24;
	v20 =	vor.u32 v2, v23;
	v9 =	vld [tilespmem:s28+$0x1920];
	v13 =	vadd.f32 v13, v11  }
0x27: {  	v30 =	vor.u32 v4, v25;
	v27 =	vor.u32 v4, v23;
	v16 =	vld.idx.msk [tilespmem:v16+s12+$0x0], $0xffff;
	v14 =	vadd.f32 v14, v11  }
0x28: {  	s31 =	simm.s32 $0x5;
	v35 =	vor.u32 v3, v32;
	v15 =	vor.u32 v2, v26;
	v8 =	vld [tilespmem:s28+$0x1930];
	[tilespmem:v18+s15+$0x0] =	vst.idx.msk $0xffff, v13  }
0x29: {  	v39 =	vadd.s32 s31, v0;
	v13 =	vadd.f32 v17, v11;
	v17 =	vor.u32 v1, v32;
	[tilespmem:v12+s15+$0x0] =	vst.idx.msk $0xffff, v14  }
0x2a: {  	s30 =	simm.s32 $0x6;
	v47 =	vor.u32 v6, v23;
	v33 =	vor.u32 v4, v29;
	v12 =	vor.u32 v2, v29;
	v21 =	vld.idx.msk [tilespmem:v21+s12+$0x0], $0xffff  }
0x2b: {  	v40 =	vadd.s32 s30, v0;
	v34 =	vor.u32 v4, v26;
	v18 =	vshll.u32 v39, $0x6;
	[tilespmem:v19+s15+$0x0] =	vst.idx.msk $0xffff, v13;
	v13 =	vld.idx.msk [tilespmem:v20+s12+$0x0], $0xffff  }
0x2c: {  	v26 =	vor.u32 v6, v26;
	v16 =	vadd.f32 v16, v11;
	v19 =	vand.u32 $0x1FC0, v18  }
0x2d: {  	s28 =	simm.s32 $0x4;
	v14 =	vor.u32 v3, v24;
	v20 =	vshll.u32 v40, $0x6;
	v42 =	vor.u32 v0, v19  }
0x2e: {  	v38 =	vadd.s32 s28, v0;
	v24 =	vor.u32 v7, v24;
	v41 =	vld.idx.msk [tilespmem:v15+s12+$0x0], $0xffff;
	v22 =	vand.u32 $0x1FC0, v20;
	[tilespmem:v17+s15+$0x0] =	vst.idx.msk $0xffff, v16  }
0x2f: {  	s28 =	simm.s32 $0x7;
	v29 =	vor.u32 v6, v29;
	v43 =	vor.u32 v0, v22;
	v12 =	vld.idx.msk [tilespmem:v12+s12+$0x0], $0xffff;
	v21 =	vadd.f32 v21, v10  }
0x30: {  	v15 =	vshll.u32 v38, $0x6;
	v16 =	vadd.s32 s28, v0;
	v44 =	vadd.f32 v13, v10  }
0x31: {  	v18 =	vand.u32 $0x1FC0, v15;
	v15 =	vand.u32 $0x7F, v40;
	v17 =	vshll.u32 v16, $0x6;
	[tilespmem:v37+s15+$0x0] =	vst.idx.msk $0xffff, v21  }
0x32: {  	v60 =	vor.u32 v0, v18;
	v20 =	vand.u32 $0x1FC0, v17;
	v13 =	vand.u32 $0x7F, v38;
	v37 =	vld.idx.msk [tilespmem:v42+s12+$0x0], $0xffff;
	[tilespmem:v14+s15+$0x0] =	vst.idx.msk $0xffff, v44  }
0x33: {  	v17 =	vand.u32 $0x7F, v39;
	v59 =	vor.u32 v0, v20;
	v41 =	vadd.f32 v41, v10;
	v61 =	vld.idx.msk [tilespmem:v27+s12+$0x0], $0xffff  }
0x34: {  	v21 =	vor.u32 v7, v31;
	v42 =	vor.u32 v1, v15;
	v45 =	vld.idx.msk [tilespmem:v43+s12+$0x0], $0xffff;
	v62 =	vadd.f32 v12, v10  }
0x35: {  	v23 =	vor.u32 v4, v20;
	v39 =	vor.u32 v1, v13;
	v46 =	vld.idx.msk [tilespmem:v30+s12+$0x0], $0xffff;
	[tilespmem:v36+s15+$0x0] =	vst.idx.msk $0xffff, v41  }
0x36: {  	v14 =	vand.u32 $0x7F, v16;
	v16 =	vor.u32 v7, v32;
	v34 =	vld.idx.msk [tilespmem:v34+s12+$0x0], $0xffff;
	[tilespmem:v35+s15+$0x0] =	vst.idx.msk $0xffff, v62  }
0x37: {  	v30 =	vor.u32 v6, v25;
	v25 =	vor.u32 v4, v19;
	v35 =	vor.u32 v5, v31;
	v33 =	vld.idx.msk [tilespmem:v33+s12+$0x0], $0xffff  }
0x38: {  	v32 =	vor.u32 v5, v32;
	v43 =	vor.u32 v1, v17;
	v31 =	vadd.f32 v61, v9  }
0x39: {  	v44 =	vor.u32 v2, v19;
	v27 =	vor.u32 v2, v18;
	v38 =	vld.idx.msk [tilespmem:v60+s12+$0x0], $0xffff;
	v41 =	vor.u32 v2, v22  }
0x3a: {  	v12 =	vor.u32 v7, v28;
	v36 =	vld.idx.msk [tilespmem:v59+s12+$0x0], $0xffff;
	v40 =	vadd.f32 v46, v9;
	[tilespmem:v63+s15+$0x0] =	vst.idx.msk $0xffff, v31  }
0x3b: {  	s28 =	simm.s32 $0x8;
	v28 =	vor.u32 v5, v28;
	v45 =	vadd.f32 v45, v11;
	v34 =	vadd.f32 v34, v9;
	v31 =	vld.idx.msk [tilespmem:v47+s12+$0x0], $0xffff  }
.LBB2_3:
0x3c: {  	p1 =	slt.u32 s28, $0x7C;
	v46 =	vor.u32 v4, v18;
	[tilespmem:v35+s15+$0x0] =	vst.idx.msk $0xffff, v40;
	v33 =	vadd.f32 v33, v9;
	v35 =	vmov v22;
	s29 =	smov.u32 s28;
	s28 =	sadd.s32 $0x4, s28  }
0x3d: {  	v22 =	vadd.f32 v37, v11;
	[tilespmem:v42+s15+$0x0] =	vst.idx.msk $0xffff, v45;
	v37 =	vor.u32 v4, v35;
	v30 =	vld.idx.msk [tilespmem:v30+s12+$0x0], $0xffff  }
0x3e: {  	v38 =	vadd.f32 v38, v11;
	v40 =	vld.idx.msk [tilespmem:v41+s12+$0x0], $0xffff;
	v41 =	vor.u32 v3, v14;
	[tilespmem:v32+s15+$0x0] =	vst.idx.msk $0xffff, v33  }
0x3f: {  	v32 =	vor.u32 v3, v13;
	[tilespmem:v43+s15+$0x0] =	vst.idx.msk $0xffff, v22;
	v22 =	vor.u32 v1, v14;
	v29 =	vld.idx.msk [tilespmem:v29+s12+$0x0], $0xffff  }
0x40: {  	[tilespmem:v39+s15+$0x0] =	vst.idx.msk $0xffff, v38;
	v33 =	vld.idx.msk [tilespmem:v44+s12+$0x0], $0xffff;
	v38 =	vor.u32 v2, v20;
	v44 =	vadd.f32 v31, v8  }
0x41: {  	v42 =	vor.u32 v3, v17;
	v39 =	vld.idx.msk [tilespmem:v27+s12+$0x0], $0xffff;
	v27 =	vor.u32 v3, v15;
	[tilespmem:v28+s15+$0x0] =	vst.idx.msk $0xffff, v34  }
0x42: {  	s30 =	sadd.s32 $0x1, s29;
	s31 =	sadd.s32 $0x2, s29;
	v47 =	vadd.f32 v36, v11;
	v31 =	vmov v18;
	v28 =	vadd.s32 s29, v0;
	s29 =	sadd.s32 $0x3, s29;
	v26 =	vld.idx.msk [tilespmem:v26+s12+$0x0], $0xffff;
	[tilespmem:v24+s15+$0x0] =	vst.idx.msk $0xffff, v44  }
0x43: {  	v36 =	vadd.s32 s31, v0;
	v43 =	vmovc v20;
	v24 =	vadd.s32 s30, v0;
	v18 =	vadd.f32 v30, v8;
	v30 =	vmovc v15  }
0x44: {  	v45 =	vmovc v17;
	v34 =	vmovc v13;
	v15 =	vshll.u32 v28, $0x6;
	v44 =	vshll.u32 v36, $0x6;
	v20 =	vshll.u32 v24, $0x6;
	[tilespmem:v22+s15+$0x0] =	vst.idx.msk $0xffff, v47  }
0x45: {  	v47 =	vand.u32 $0x1FC0, v20;
	v22 =	vand.u32 $0x1FC0, v44;
	v13 =	vadd.f32 v29, v8;
	v38 =	vld.idx.msk [tilespmem:v38+s12+$0x0], $0xffff;
	[tilespmem:v21+s15+$0x0] =	vst.idx.msk $0xffff, v18  }
0x46: {  	v48 =	vmovc v14;
	v44 =	vadd.s32 s29, v0;
	v29 =	vor.u32 v0, v47;
	v21 =	vor.u32 v0, v22  }
0x47: {  	v17 =	vadd.f32 v40, v10;
	v18 =	vand.u32 $0x1FC0, v15;
	v14 =	vshll.u32 v44, $0x6;
	[tilespmem:v16+s15+$0x0] =	vst.idx.msk $0xffff, v13  }
0x48: {  	v15 =	vand.u32 $0x7F, v36;
	v20 =	vand.u32 $0x1FC0, v14;
	v16 =	vadd.f32 v26, v8  }
0x49: {  	v13 =	vand.u32 $0x7F, v28;
	v36 =	vor.u32 v0, v20;
	v26 =	vadd.f32 v33, v10;
	[tilespmem:v27+s15+$0x0] =	vst.idx.msk $0xffff, v17  }
0x4a: {  	v40 =	vor.u32 v0, v18;
	v14 =	vand.u32 $0x7F, v44;
	v17 =	vand.u32 $0x7F, v24;
	v44 =	vld.idx.msk [tilespmem:v37+s12+$0x0], $0xffff;
	[tilespmem:v12+s15+$0x0] =	vst.idx.msk $0xffff, v16  }
0x4b: {  	v27 =	vor.u32 v2, v18;
	v24 =	vadd.f32 v39, v10;
	v28 =	vadd.f32 v38, v10  }
0x4c: {  	v12 =	vor.u32 v7, v34;
	v16 =	vor.u32 v7, v48;
	v49 =	vld.idx.msk [tilespmem:v21+s12+$0x0], $0xffff;
	[tilespmem:v42+s15+$0x0] =	vst.idx.msk $0xffff, v26  }
0x4d: {  	v39 =	vor.u32 v5, v30;
	v21 =	vor.u32 v7, v45;
	[tilespmem:v32+s15+$0x0] =	vst.idx.msk $0xffff, v24;
	v50 =	vld.idx.msk [tilespmem:v25+s12+$0x0], $0xffff  }
0x4e: {  	v51 =	vor.u32 v6, v35;
	v24 =	vor.u32 v7, v30;
	v46 =	vld.idx.msk [tilespmem:v46+s12+$0x0], $0xffff;
	[tilespmem:v41+s15+$0x0] =	vst.idx.msk $0xffff, v28  }
0x4f: {  	v26 =	vor.u32 v6, v31;
	v30 =	vor.u32 v6, v19;
	v28 =	vor.u32 v5, v34;
	v33 =	vld.idx.msk [tilespmem:v23+s12+$0x0], $0xffff  }
.Ltmp0:
0x50: {  	v35 =	vor.u32 v5, v45;
	v19 =	vadd.f32 v44, v9;
	v37 =	vld.idx.msk [tilespmem:v29+s12+$0x0], $0xffff;
	v29 =	vor.u32 v6, v43;
	(pc) =	sbr.rel @p1 .LBB2_3-.Ltmp0, $4  }
0x51: {  	v42 =	vor.u32 v1, v15;
	v25 =	vor.u32 v4, v47;
	v32 =	vor.u32 v5, v48;
	v38 =	vld.idx.msk [tilespmem:v40+s12+$0x0], $0xffff  }
0x52: {  	v41 =	vor.u32 v2, v22;
	v23 =	vor.u32 v4, v20;
	v36 =	vld.idx.msk [tilespmem:v36+s12+$0x0], $0xffff;
	[tilespmem:v39+s15+$0x0] =	vst.idx.msk $0xffff, v19  }
0x53: {  	v43 =	vor.u32 v1, v17;
	v39 =	vor.u32 v1, v13;
	v40 =	vadd.f32 v50, v9;
	v31 =	vld.idx.msk [tilespmem:v51+s12+$0x0], $0xffff  }
0x54: {  	v44 =	vor.u32 v2, v47;
	v45 =	vadd.f32 v49, v11;
	v34 =	vadd.f32 v46, v9;
	v19 =	vmovc v47  }
0x55: {  	_ = 	snop  }
0x56: {  	v46 =	vor.u32 v1, v14  }
0x57: {  	v47 =	vor.u32 v2, v20  }
0x58: {  	v37 =	vadd.f32 v37, v11  }
0x59: {  	[tilespmem:v42+s15+$0x0] =	vst.idx.msk $0xffff, v45;
	v36 =	vadd.f32 v36, v11  }
0x5a: {  	v11 =	vadd.f32 v38, v11;
	v53 =	vld.idx.msk [tilespmem:v41+s12+$0x0], $0xffff;
	[tilespmem:v43+s15+$0x0] =	vst.idx.msk $0xffff, v37  }
0x5b: {  	v37 =	vld.idx.msk [tilespmem:v44+s12+$0x0], $0xffff;
	[tilespmem:v46+s15+$0x0] =	vst.idx.msk $0xffff, v36  }
0x5c: {  	[tilespmem:v39+s15+$0x0] =	vst.idx.msk $0xffff, v11;
	v11 =	vor.u32 v3, v15;
	v36 =	vld.idx.msk [tilespmem:v47+s12+$0x0], $0xffff  }
0x5d: {  	v54 =	vor.u32 v4, v22;
	v55 =	vor.u32 v3, v17;
	v27 =	vld.idx.msk [tilespmem:v27+s12+$0x0], $0xffff  }
0x5e: {  	v56 =	vor.u32 v3, v14  }
0x5f: {  	v57 =	vor.u32 v3, v13;
	v38 =	vadd.f32 v53, v10  }
0x60: {  	v58 =	vor.u32 v4, v18;
	v37 =	vadd.f32 v37, v10  }
0x61: {  	[tilespmem:v11+s15+$0x0] =	vst.idx.msk $0xffff, v38;
	v11 =	vadd.f32 v36, v10  }
0x62: {  	v59 =	vld.idx.msk [tilespmem:v54+s12+$0x0], $0xffff;
	[tilespmem:v55+s15+$0x0] =	vst.idx.msk $0xffff, v37;
	v10 =	vadd.f32 v27, v10  }
0x63: {  	v25 =	vld.idx.msk [tilespmem:v25+s12+$0x0], $0xffff;
	[tilespmem:v56+s15+$0x0] =	vst.idx.msk $0xffff, v11  }
0x64: {  	v11 =	vadd.f32 v33, v9;
	[tilespmem:v57+s15+$0x0] =	vst.idx.msk $0xffff, v10;
	v10 =	vor.u32 v5, v15;
	v23 =	vld.idx.msk [tilespmem:v23+s12+$0x0], $0xffff  }
0x65: {  	[tilespmem:v35+s15+$0x0] =	vst.idx.msk $0xffff, v40;
	v22 =	vor.u32 v6, v22;
	v60 =	vor.u32 v5, v17;
	v27 =	vld.idx.msk [tilespmem:v58+s12+$0x0], $0xffff  }
0x66: {  	[tilespmem:v32+s15+$0x0] =	vst.idx.msk $0xffff, v11;
	v11 =	vor.u32 v6, v19;
	v19 =	vor.u32 v5, v14  }
0x67: {  	v61 =	vor.u32 v5, v13;
	v20 =	vor.u32 v6, v20;
	v30 =	vld.idx.msk [tilespmem:v30+s12+$0x0], $0xffff;
	v62 =	vadd.f32 v59, v9  }
0x68: {  	v18 =	vor.u32 v6, v18;
	[tilespmem:v28+s15+$0x0] =	vst.idx.msk $0xffff, v34;
	v29 =	vld.idx.msk [tilespmem:v29+s12+$0x0], $0xffff;
	v25 =	vadd.f32 v25, v9  }
0x69: {  	v26 =	vld.idx.msk [tilespmem:v26+s12+$0x0], $0xffff;
	[tilespmem:v10+s15+$0x0] =	vst.idx.msk $0xffff, v62;
	v10 =	vadd.f32 v23, v9  }
0x6a: {  	[tilespmem:v60+s15+$0x0] =	vst.idx.msk $0xffff, v25;
	v22 =	vld.idx.msk [tilespmem:v22+s12+$0x0], $0xffff;
	v9 =	vadd.f32 v27, v9  }
0x6b: {  	v23 =	vadd.f32 v31, v8;
	v11 =	vld.idx.msk [tilespmem:v11+s12+$0x0], $0xffff;
	[tilespmem:v19+s15+$0x0] =	vst.idx.msk $0xffff, v10  }
0x6c: {  	v15 =	vor.u32 v7, v15;
	v10 =	vadd.f32 v30, v8;
	[tilespmem:v61+s15+$0x0] =	vst.idx.msk $0xffff, v9;
	v19 =	vld.idx.msk [tilespmem:v20+s12+$0x0], $0xffff  }
0x6d: {  	v17 =	vor.u32 v7, v17;
	[tilespmem:v24+s15+$0x0] =	vst.idx.msk $0xffff, v23;
	v9 =	vadd.f32 v29, v8;
	v18 =	vld.idx.msk [tilespmem:v18+s12+$0x0], $0xffff  }
0x6e: {  	v14 =	vor.u32 v7, v14;
	[tilespmem:v21+s15+$0x0] =	vst.idx.msk $0xffff, v10;
	v10 =	vadd.f32 v26, v8  }
0x6f: {  	[tilespmem:v16+s15+$0x0] =	vst.idx.msk $0xffff, v9;
	v9 =	vor.u32 v7, v13;
	v13 =	vadd.f32 v22, v8  }
0x70: {  	[tilespmem:v12+s15+$0x0] =	vst.idx.msk $0xffff, v10;
	v10 =	vadd.f32 v11, v8  }
0x71: {  	s25 =	sshll.u32 s25, $0x7;
	[tilespmem:v15+s15+$0x0] =	vst.idx.msk $0xffff, v13;
	v11 =	vadd.f32 v19, v8  }
0x72: {  	s25 =	sand.u32 $0x300, s25;
	[tilespmem:v17+s15+$0x0] =	vst.idx.msk $0xffff, v10;
	v8 =	vadd.f32 v18, v8  }
0x73: {  	s26 =	sshll.u32 s26, $0xD;
	s24 =	sor.u32 $0x1, s24;
	s25 =	sadd.s32 s2, s25;
	[tilespmem:v14+s15+$0x0] =	vst.idx.msk $0xffff, v11  }
0x74: {  	s28 =	simm.s32 $0x1;
	p1 =	sgt.u32 s24, $0x30;
	s25 =	sadd.s32 s26, s25;
	[tilespmem:v9+s15+$0x0] =	vst.idx.msk $0xffff, v8  }
0x75: {  	[hbm4b:s25+s16] =	stream.strided.scatter [tilespmem:s15], [sflag:$0x3], $0x2000, s17, s16, $0x38;
	[tilespmem:$0xCB00] =	vst v63  }
0x76: {  	s23 =	sadd.s32 @!p1 $0x100, s23;
	s26 =	simm.s32 @!p1 $0x4B00;
	s25 =	simm.s32 @!p1 $0x80  }
0x77: {  	[tilespmem:s26], [sflag:$0x1] =	stream.indirect.gather @!p1 [hbm4b:s4+s25], $0x40, s23, s25, $0xb8;
	[tilespmem:$0xCB00] =	vst v63  }
0x78: {  	v9 =	vadd.s32 s28, v0;
	s26 =	simm.s32 $0x2;
	s25 =	simm.s32 @!p0 $0x3  }
0x79: {  	v11 =	vshll.u32 v9, $0x6;
	v8 =	vadd.s32 s26, v0;
	_ =	swait.ge @!p0 [sflag:s25], $0x2000  }
0x7a: {  	s29 =	simm.s32 $0x0;
	v25 =	vand.u32 $0x1FC0, v11;
	v10 =	vshll.u32 v8, $0x6;
	[sflag:s25] =	ssyncset.done @!p0 $0x0  }
0x7b: {  	v12 =	vadd.s32 s29, v0;
	s23 =	sadd.s32 s6, s24;
	v14 =	vor.u32 v0, v25;
	v23 =	vand.u32 $0x1FC0, v10;
	[sflag:s25] =	ssyncadd.s32 @!p0 $0xFFFFE000  }
0x7c: {  	s30 =	simm.s32 $0x3;
	s24 =	sshrl.u32 s23, $0x3;
	v10 =	vshll.u32 v12, $0x6;
	v13 =	vor.u32 v0, v23;
	_ =	swait.ge [sflag:s18], $0x2000  }
0x7d: {  	v15 =	vadd.s32 s30, v0;
	s31 =	sshll.u32 s24, $0x6;
	v26 =	vand.u32 $0x1FC0, v10;
	[sflag:s18] =	ssyncset.done $0x0  }
0x7e: {  	v16 =	vshll.u32 v15, $0x6;
	s28 =	sand.u32 $0x3FFFFFC0, s31;
	v10 =	vor.u32 v0, v26;
	[sflag:s18] =	ssyncadd.s32 $0xFFFFE000  }
0x7f: {  	v29 =	vand.u32 $0x1FC0, v16;
	v11 =	vld [tilespmem:s28+$0x1900]  }
0x80: {  	v16 =	vor.u32 v0, v29;
	v14 =	vld.idx.msk [tilespmem:v14+s13+$0x0], $0xffff  }
0x81: {  	v31 =	vand.u32 $0x7F, v9;
	v13 =	vld.idx.msk [tilespmem:v13+s13+$0x0], $0xffff  }
0x82: {  	v28 =	vand.u32 $0x7F, v12;
	v24 =	vand.u32 $0x7F, v8;
	v12 =	vor.u32 v1, v31  }
0x83: {  	v32 =	vand.u32 $0x7F, v15;
	v19 =	vor.u32 v1, v28;
	v18 =	vor.u32 v1, v24;
	v17 =	vld.idx.msk [tilespmem:v10+s13+$0x0], $0xffff  }
0x84: {  	v63 =	vor.u32 v3, v28;
	v35 =	vor.u32 v3, v32;
	v21 =	vor.u32 v2, v25;
	v9 =	vld [tilespmem:s28+$0x1920]  }
0x85: {  	v33 =	vor.u32 v4, v29;
	v20 =	vor.u32 v2, v23;
	v16 =	vld.idx.msk [tilespmem:v16+s13+$0x0], $0xffff;
	v14 =	vadd.f32 v14, v11  }
0x86: {  	v48 =	vor.u32 v3, v31;
	v30 =	vor.u32 v4, v25;
	v8 =	vld [tilespmem:s28+$0x1930];
	v13 =	vadd.f32 v13, v11  }
0x87: {  	s29 =	simm.s32 $0x4;
	v61 =	vor.u32 v5, v24;
	v15 =	vor.u32 v2, v26;
	v10 =	vld [tilespmem:s28+$0x1910];
	[tilespmem:v12+s19+$0x0] =	vst.idx.msk $0xffff, v14  }
0x88: {  	v49 =	vadd.s32 s29, v0;
	[tilespmem:v18+s19+$0x0] =	vst.idx.msk $0xffff, v13;
	v13 =	vadd.f32 v17, v11;
	v17 =	vor.u32 v1, v32  }
0x89: {  	s30 =	simm.s32 $0x5;
	v27 =	vor.u32 v4, v23;
	v34 =	vor.u32 v4, v26;
	s28 =	simm.s32 $0x6;
	v12 =	vor.u32 v2, v29;
	v21 =	vld.idx.msk [tilespmem:v21+s13+$0x0], $0xffff  }
0x8a: {  	v50 =	vadd.s32 s30, v0;
	v26 =	vor.u32 v6, v26;
	v51 =	vadd.s32 s28, v0;
	[tilespmem:v19+s19+$0x0] =	vst.idx.msk $0xffff, v13;
	v13 =	vld.idx.msk [tilespmem:v20+s13+$0x0], $0xffff  }
0x8b: {  	v16 =	vadd.f32 v16, v11;
	v14 =	vor.u32 v3, v24;
	v24 =	vor.u32 v7, v24  }
0x8c: {  	v29 =	vor.u32 v6, v29;
	v18 =	vshll.u32 v50, $0x6;
	v20 =	vshll.u32 v51, $0x6  }
0x8d: {  	v19 =	vand.u32 $0x1FC0, v18;
	v52 =	vld.idx.msk [tilespmem:v15+s13+$0x0], $0xffff;
	v15 =	vshll.u32 v49, $0x6;
	v22 =	vand.u32 $0x1FC0, v20;
	[tilespmem:v17+s19+$0x0] =	vst.idx.msk $0xffff, v16  }
0x8e: {  	v53 =	vor.u32 v0, v19;
	v44 =	vor.u32 v2, v19;
	v21 =	vadd.f32 v21, v10;
	v12 =	vld.idx.msk [tilespmem:v12+s13+$0x0], $0xffff  }
0x8f: {  	s31 =	simm.s32 $0x7;
	v54 =	vor.u32 v0, v22;
	v18 =	vand.u32 $0x1FC0, v15;
	v55 =	vadd.f32 v13, v10  }
0x90: {  	v15 =	vand.u32 $0x7F, v51;
	v16 =	vadd.s32 s31, v0;
	v57 =	vor.u32 v0, v18;
	[tilespmem:v48+s19+$0x0] =	vst.idx.msk $0xffff, v21  }
0x91: {  	v42 =	vor.u32 v1, v15;
	v17 =	vshll.u32 v16, $0x6;
	v21 =	vor.u32 v7, v31;
	[tilespmem:v14+s19+$0x0] =	vst.idx.msk $0xffff, v55  }
0x92: {  	v20 =	vand.u32 $0x1FC0, v17;
	v13 =	vand.u32 $0x7F, v49;
	v41 =	vadd.f32 v52, v10;
	v58 =	vld.idx.msk [tilespmem:v27+s13+$0x0], $0xffff  }
0x93: {  	v17 =	vand.u32 $0x7F, v50;
	v62 =	vld.idx.msk [tilespmem:v30+s13+$0x0], $0xffff;
	v30 =	vor.u32 v6, v25;
	v59 =	vadd.f32 v12, v10  }
0x94: {  	v25 =	vor.u32 v4, v19;
	v56 =	vor.u32 v0, v20;
	v60 =	vld.idx.msk [tilespmem:v54+s13+$0x0], $0xffff;
	[tilespmem:v63+s19+$0x0] =	vst.idx.msk $0xffff, v41  }
0x95: {  	v39 =	vor.u32 v1, v13;
	v63 =	vor.u32 v6, v23;
	v34 =	vld.idx.msk [tilespmem:v34+s13+$0x0], $0xffff;
	[tilespmem:v35+s19+$0x0] =	vst.idx.msk $0xffff, v59  }
0x96: {  	v43 =	vor.u32 v1, v17;
	v14 =	vand.u32 $0x7F, v16;
	v35 =	vor.u32 v5, v31;
	v33 =	vld.idx.msk [tilespmem:v33+s13+$0x0], $0xffff  }
0x97: {  	v37 =	vld.idx.msk [tilespmem:v53+s13+$0x0], $0xffff;
	v16 =	vor.u32 v7, v32;
	v32 =	vor.u32 v5, v32;
	v31 =	vadd.f32 v58, v9  }
0x98: {  	v27 =	vor.u32 v2, v18;
	v38 =	vld.idx.msk [tilespmem:v57+s13+$0x0], $0xffff;
	v41 =	vor.u32 v2, v22;
	v23 =	vor.u32 v4, v20  }
0x99: {  	v12 =	vor.u32 v7, v28;
	v40 =	vadd.f32 v62, v9;
	v36 =	vld.idx.msk [tilespmem:v56+s13+$0x0], $0xffff;
	[tilespmem:v61+s19+$0x0] =	vst.idx.msk $0xffff, v31  }
0x9a: {  	s25 =	simm.s32 $0x8;
	v28 =	vor.u32 v5, v28;
	v45 =	vadd.f32 v60, v11;
	v34 =	vadd.f32 v34, v9;
	v31 =	vld.idx.msk [tilespmem:v63+s13+$0x0], $0xffff  }
.LBB2_5:
0x9b: {  	p0 =	slt.u32 s25, $0x7C;
	v46 =	vor.u32 v4, v18;
	[tilespmem:v35+s19+$0x0] =	vst.idx.msk $0xffff, v40;
	v33 =	vadd.f32 v33, v9;
	v35 =	vmov v22;
	s26 =	smov.u32 s25;
	s25 =	sadd.s32 $0x4, s25  }
0x9c: {  	v22 =	vadd.f32 v37, v11;
	[tilespmem:v42+s19+$0x0] =	vst.idx.msk $0xffff, v45;
	v37 =	vor.u32 v4, v35;
	v30 =	vld.idx.msk [tilespmem:v30+s13+$0x0], $0xffff  }
0x9d: {  	v38 =	vadd.f32 v38, v11;
	v40 =	vld.idx.msk [tilespmem:v41+s13+$0x0], $0xffff;
	v41 =	vor.u32 v3, v14;
	[tilespmem:v32+s19+$0x0] =	vst.idx.msk $0xffff, v33  }
0x9e: {  	v32 =	vor.u32 v3, v13;
	[tilespmem:v43+s19+$0x0] =	vst.idx.msk $0xffff, v22;
	v22 =	vor.u32 v1, v14;
	v29 =	vld.idx.msk [tilespmem:v29+s13+$0x0], $0xffff  }
0x9f: {  	[tilespmem:v39+s19+$0x0] =	vst.idx.msk $0xffff, v38;
	v33 =	vld.idx.msk [tilespmem:v44+s13+$0x0], $0xffff;
	v38 =	vor.u32 v2, v20;
	v44 =	vadd.f32 v31, v8  }
0xa0: {  	v42 =	vor.u32 v3, v17;
	v39 =	vld.idx.msk [tilespmem:v27+s13+$0x0], $0xffff;
	v27 =	vor.u32 v3, v15;
	[tilespmem:v28+s19+$0x0] =	vst.idx.msk $0xffff, v34  }
0xa1: {  	s28 =	sadd.s32 $0x1, s26;
	s29 =	sadd.s32 $0x2, s26;
	v47 =	vadd.f32 v36, v11;
	v31 =	vmov v18;
	v28 =	vadd.s32 s26, v0;
	s26 =	sadd.s32 $0x3, s26;
	v26 =	vld.idx.msk [tilespmem:v26+s13+$0x0], $0xffff;
	[tilespmem:v24+s19+$0x0] =	vst.idx.msk $0xffff, v44  }
0xa2: {  	v36 =	vadd.s32 s29, v0;
	v43 =	vmovc v20;
	v24 =	vadd.s32 s28, v0;
	v18 =	vadd.f32 v30, v8;
	v30 =	vmovc v15  }
0xa3: {  	v45 =	vmovc v17;
	v34 =	vmovc v13;
	v15 =	vshll.u32 v28, $0x6;
	v44 =	vshll.u32 v36, $0x6;
	v20 =	vshll.u32 v24, $0x6;
	[tilespmem:v22+s19+$0x0] =	vst.idx.msk $0xffff, v47  }
0xa4: {  	v47 =	vand.u32 $0x1FC0, v20;
	v22 =	vand.u32 $0x1FC0, v44;
	v13 =	vadd.f32 v29, v8;
	v38 =	vld.idx.msk [tilespmem:v38+s13+$0x0], $0xffff;
	[tilespmem:v21+s19+$0x0] =	vst.idx.msk $0xffff, v18  }
0xa5: {  	v48 =	vmovc v14;
	v44 =	vadd.s32 s26, v0;
	v29 =	vor.u32 v0, v47;
	v21 =	vor.u32 v0, v22  }
0xa6: {  	v17 =	vadd.f32 v40, v10;
	v18 =	vand.u32 $0x1FC0, v15;
	v14 =	vshll.u32 v44, $0x6;
	[tilespmem:v16+s19+$0x0] =	vst.idx.msk $0xffff, v13  }
0xa7: {  	v15 =	vand.u32 $0x7F, v36;
	v20 =	vand.u32 $0x1FC0, v14;
	v16 =	vadd.f32 v26, v8  }
0xa8: {  	v13 =	vand.u32 $0x7F, v28;
	v36 =	vor.u32 v0, v20;
	v26 =	vadd.f32 v33, v10;
	[tilespmem:v27+s19+$0x0] =	vst.idx.msk $0xffff, v17  }
0xa9: {  	v40 =	vor.u32 v0, v18;
	v14 =	vand.u32 $0x7F, v44;
	v17 =	vand.u32 $0x7F, v24;
	v44 =	vld.idx.msk [tilespmem:v37+s13+$0x0], $0xffff;
	[tilespmem:v12+s19+$0x0] =	vst.idx.msk $0xffff, v16  }
0xaa: {  	v27 =	vor.u32 v2, v18;
	v24 =	vadd.f32 v39, v10;
	v28 =	vadd.f32 v38, v10  }
0xab: {  	v12 =	vor.u32 v7, v34;
	v16 =	vor.u32 v7, v48;
	v49 =	vld.idx.msk [tilespmem:v21+s13+$0x0], $0xffff;
	[tilespmem:v42+s19+$0x0] =	vst.idx.msk $0xffff, v26  }
0xac: {  	v39 =	vor.u32 v5, v30;
	v21 =	vor.u32 v7, v45;
	[tilespmem:v32+s19+$0x0] =	vst.idx.msk $0xffff, v24;
	v50 =	vld.idx.msk [tilespmem:v25+s13+$0x0], $0xffff  }
0xad: {  	v51 =	vor.u32 v6, v35;
	v24 =	vor.u32 v7, v30;
	v46 =	vld.idx.msk [tilespmem:v46+s13+$0x0], $0xffff;
	[tilespmem:v41+s19+$0x0] =	vst.idx.msk $0xffff, v28  }
0xae: {  	v26 =	vor.u32 v6, v31;
	v30 =	vor.u32 v6, v19;
	v28 =	vor.u32 v5, v34;
	v33 =	vld.idx.msk [tilespmem:v23+s13+$0x0], $0xffff  }
.Ltmp1:
0xaf: {  	v35 =	vor.u32 v5, v45;
	v19 =	vadd.f32 v44, v9;
	v37 =	vld.idx.msk [tilespmem:v29+s13+$0x0], $0xffff;
	v29 =	vor.u32 v6, v43;
	(pc) =	sbr.rel @p0 .LBB2_5-.Ltmp1, $4  }
0xb0: {  	v42 =	vor.u32 v1, v15;
	v25 =	vor.u32 v4, v47;
	v32 =	vor.u32 v5, v48;
	v38 =	vld.idx.msk [tilespmem:v40+s13+$0x0], $0xffff  }
0xb1: {  	v41 =	vor.u32 v2, v22;
	v23 =	vor.u32 v4, v20;
	v36 =	vld.idx.msk [tilespmem:v36+s13+$0x0], $0xffff;
	[tilespmem:v39+s19+$0x0] =	vst.idx.msk $0xffff, v19  }
0xb2: {  	v43 =	vor.u32 v1, v17;
	v39 =	vor.u32 v1, v13;
	v40 =	vadd.f32 v50, v9;
	v31 =	vld.idx.msk [tilespmem:v51+s13+$0x0], $0xffff  }
0xb3: {  	v44 =	vor.u32 v2, v47;
	v45 =	vadd.f32 v49, v11;
	v34 =	vadd.f32 v46, v9;
	v19 =	vmovc v47  }
0xb4: {  	_ = 	snop  }
0xb5: {  	v46 =	vor.u32 v1, v14  }
0xb6: {  	v47 =	vor.u32 v2, v20  }
0xb7: {  	v37 =	vadd.f32 v37, v11  }
0xb8: {  	[tilespmem:v42+s19+$0x0] =	vst.idx.msk $0xffff, v45;
	v36 =	vadd.f32 v36, v11  }
0xb9: {  	v54 =	vadd.f32 v38, v11;
	v55 =	vld.idx.msk [tilespmem:v41+s13+$0x0], $0xffff;
	[tilespmem:v43+s19+$0x0] =	vst.idx.msk $0xffff, v37  }
0xba: {  	v37 =	vld.idx.msk [tilespmem:v44+s13+$0x0], $0xffff;
	[tilespmem:v46+s19+$0x0] =	vst.idx.msk $0xffff, v36  }
0xbb: {  	v56 =	vor.u32 v3, v15;
	[tilespmem:v39+s19+$0x0] =	vst.idx.msk $0xffff, v54;
	v36 =	vld.idx.msk [tilespmem:v47+s13+$0x0], $0xffff  }
0xbc: {  	v57 =	vor.u32 v4, v22;
	v58 =	vor.u32 v3, v17;
	v27 =	vld.idx.msk [tilespmem:v27+s13+$0x0], $0xffff  }
0xbd: {  	v59 =	vor.u32 v3, v14  }
0xbe: {  	v60 =	vor.u32 v3, v13;
	v38 =	vadd.f32 v55, v10  }
0xbf: {  	v61 =	vor.u32 v4, v18;
	[tilespmem:v35+s19+$0x0] =	vst.idx.msk $0xffff, v40;
	v37 =	vadd.f32 v37, v10  }
0xc0: {  	[tilespmem:v56+s19+$0x0] =	vst.idx.msk $0xffff, v38;
	v62 =	vadd.f32 v36, v10  }
0xc1: {  	v38 =	vadd.f32 v27, v10;
	v63 =	vld.idx.msk [tilespmem:v57+s13+$0x0], $0xffff;
	[tilespmem:v58+s19+$0x0] =	vst.idx.msk $0xffff, v37  }
0xc2: {  	v25 =	vld.idx.msk [tilespmem:v25+s13+$0x0], $0xffff;
	[tilespmem:v59+s19+$0x0] =	vst.idx.msk $0xffff, v62  }
0xc3: {  	v41 =	vor.u32 v5, v15;
	[tilespmem:v60+s19+$0x0] =	vst.idx.msk $0xffff, v38;
	v23 =	vld.idx.msk [tilespmem:v23+s13+$0x0], $0xffff  }
0xc4: {  	v49 =	vor.u32 v6, v20;
	v43 =	vor.u32 v6, v22;
	v44 =	vor.u32 v5, v17;
	v42 =	vld.idx.msk [tilespmem:v61+s13+$0x0], $0xffff  }
0xc5: {  	v45 =	vor.u32 v6, v19;
	v39 =	vadd.f32 v33, v9;
	v46 =	vor.u32 v5, v14  }
0xc6: {  	v30 =	vld.idx.msk [tilespmem:v30+s13+$0x0], $0xffff;
	[tilespmem:v28+s19+$0x0] =	vst.idx.msk $0xffff, v34;
	v47 =	vor.u32 v5, v13;
	v48 =	vadd.f32 v63, v9  }
0xc7: {  	v50 =	vor.u32 v6, v18;
	v26 =	vld.idx.msk [tilespmem:v26+s13+$0x0], $0xffff;
	[tilespmem:v32+s19+$0x0] =	vst.idx.msk $0xffff, v39;
	v25 =	vadd.f32 v25, v9  }
0xc8: {  	v29 =	vld.idx.msk [tilespmem:v29+s13+$0x0], $0xffff;
	[tilespmem:v41+s19+$0x0] =	vst.idx.msk $0xffff, v48;
	v51 =	vadd.f32 v23, v9  }
0xc9: {  	v52 =	vadd.f32 v42, v9;
	v22 =	vld.idx.msk [tilespmem:v43+s13+$0x0], $0xffff;
	[tilespmem:v44+s19+$0x0] =	vst.idx.msk $0xffff, v25  }
0xca: {  	v53 =	vadd.f32 v31, v8;
	v11 =	vld.idx.msk [tilespmem:v45+s13+$0x0], $0xffff;
	[tilespmem:v46+s19+$0x0] =	vst.idx.msk $0xffff, v51  }
0xcb: {  	v54 =	vadd.f32 v30, v8;
	v55 =	vor.u32 v7, v15;
	[tilespmem:v47+s19+$0x0] =	vst.idx.msk $0xffff, v52;
	v19 =	vld.idx.msk [tilespmem:v49+s13+$0x0], $0xffff  }
0xcc: {  	[tilespmem:v24+s19+$0x0] =	vst.idx.msk $0xffff, v53;
	v57 =	vor.u32 v7, v17;
	v58 =	vadd.f32 v26, v8;
	v18 =	vld.idx.msk [tilespmem:v50+s13+$0x0], $0xffff  }
0xcd: {  	[tilespmem:v21+s19+$0x0] =	vst.idx.msk $0xffff, v54;
	v56 =	vadd.f32 v29, v8;
	v59 =	vor.u32 v7, v14  }
0xce: {  	s22 =	sadd.s32 $0x1, s22;
	v60 =	vor.u32 v7, v13;
	[tilespmem:v12+s19+$0x0] =	vst.idx.msk $0xffff, v58;
	v61 =	vadd.f32 v22, v8  }
0xcf: {  	p0 =	sne.s32 s22, $0x19;
	[tilespmem:v16+s19+$0x0] =	vst.idx.msk $0xffff, v56;
	v62 =	vadd.f32 v11, v8  }
.Ltmp2:
0xd0: {  	s23 =	sshll.u32 s23, $0x7;
	[tilespmem:v55+s19+$0x0] =	vst.idx.msk $0xffff, v61;
	v63 =	vadd.f32 v19, v8;
	(pc) =	sbr.rel @p0 .LBB2_2-.Ltmp2, $4  }
0xd1: {  	s23 =	sand.u32 $0x380, s23;
	[tilespmem:v57+s19+$0x0] =	vst.idx.msk $0xffff, v62;
	v8 =	vadd.f32 v18, v8  }
0xd2: {  	s24 =	sshll.u32 s24, $0xD;
	s23 =	sadd.s32 s2, s23;
	[tilespmem:v59+s19+$0x0] =	vst.idx.msk $0xffff, v63  }
0xd3: {  	s23 =	sadd.s32 s24, s23;
	[tilespmem:v60+s19+$0x0] =	vst.idx.msk $0xffff, v8  }
0xd4: {  	[hbm4b:s23+s16] =	stream.strided.scatter [tilespmem:s19], [sflag:$0x3], $0x2000, s17, s16, $0x38;
	[tilespmem:$0xCB00] =	vst v63  }
0xd5: {  	s21 =	sadd.s32 $0x1, s21  }
0xd6: {  	_ =	swait.ge [sflag:s20], $0x2000;
	p0 =	sne.s32 s21, s8  }
.Ltmp3:
0xd7: {  	[sflag:s20] =	ssyncset.done $0x0;
	(pc) =	sbr.rel @p0 .LBB2_1-.Ltmp3, $4  }
0xd8: {  	[sflag:s20] =	ssyncadd.s32 $0xFFFFE000  }
0xd9: {  	_ =	swait.ge [sflag:s20], $0x2000  }
0xda: {  	[sflag:s20] =	ssyncset.done $0x0  }
0xdb: {  	[sflag:s20] =	ssyncadd.s32 $0xFFFFE000  }
0xdc: {  	_ =	sfence.sel $0x180000  }
0xdd: {  	[bflag:$0x0] =	sbarrier.arrive $0xFFFF  }
0xde: {  	p0 =	sne.s32 s0, $0x0;
	_ =	strace $0x90000047  }
0xdf: {  	s0 =	sadd.s32 @!p0 $0x100000, s1;
	[bflag:$0x2] =	sbarrier.arrive $0xFFFF  }
0xe0: {  	[sflag:s0] =	ssyncadd.tile.s32 @!p0 $0x1;
	_ =	shalt  }
.Lfunc_end2:
_tile_overlayer_lowered:
.L_overlay_start_2:
0xe1: {  	(tag) =	ssettag $0x2  }
0xe2: {  	s0 =	rddreg [dreg:$0x0];
	s2 =	stileid.u32  }
0xe3: {  	s1 =	rddreg [dreg:$0x1];
	p0 =	sne.s32 s2, $0x0  }
0xe4: {  	s3 =	rddreg [dreg:$0x2];
	[bflag:$0x3] =	sbarrier.arrive $0xFFFF;
	s2 =	simm.s32 @!p0 $0x1C04  }
0xe5: {  	[timem:s3], [sflag:s2] =	dma.local @!p0 [hbm:s0], s1  }
0xe6: {  	s0 =	simm.s32 @!p0 $0x4  }
0xe7: {  	_ =	swait.ge @!p0 [sflag:s0], s1  }
0xe8: {  	s1 =	ssub.s32 @!p0 $0x0, s1;
	[sflag:s0] =	ssyncset.done @!p0 $0x0  }
0xe9: {  	[sflag:s0] =	ssyncadd.s32 @!p0 s1  }
0xea: {  	[bflag:$0x3] =	sbarrier.arrive $0xFFFF  }
0xeb: {  	_ =	shalt  }

</sc_bundles>
